<compile_context>
chip_gen: v7x
topology: tpu7x:2x2x1
jax: 0.10.2.dev20260603
libtpu: 0.0.44.dev20260713+nightly
codegen_flags: <defaults>
</compile_context>

<pallas_src>
import functools
import jax
import jax.numpy as jnp
from jax import lax
from jax.experimental import pallas as pl
from jax.experimental.pallas import tpu as pltpu
from jax.experimental.pallas import tpu_sc as plsc

_N = 16384
_M = 1000
_NL = 8192
_NW = 32
_RW = _NL // _NW
_CH = 32
_NCH = _RW // _CH
_NFULL = _M // 16
_TAIL0 = _NFULL * 16


def _body(probs_hbm, labs_hbm, out_hbm, labs_v, zb, cb0, cb1,
          gs0, gs1, ss0, ss1):
    wid = lax.axis_index("c") * 16 + lax.axis_index("s")
    base = wid * _RW

    pltpu.sync_copy(labs_hbm.at[pl.ds(base, _RW)], labs_v)

    zeros16 = jnp.zeros((16,), jnp.float32)
    ones16 = jnp.ones((16,), jnp.float32)
    lane = lax.iota(jnp.int32, 16)

    cbufs = (cb0, cb1)
    gsems = (gs0, gs1)
    ssems = (ss0, ss1)
    gathers = {}
    scatters = {}

    def _start_gather(k):
        b = k % 2
        h = pltpu.make_async_copy(
            probs_hbm.at[pl.ds(_NL + base + k * _CH, _CH)], cbufs[b], gsems[b])
        h.start()
        gathers[k] = h

    _start_gather(0)
    _start_gather(1)

    def _zero_row(r, carry):
        for c in range(_NFULL):
            zb[r, pl.ds(c * 16, 16)] = zeros16
        return carry

    lax.fori_loop(0, _CH, _zero_row, 0)
    for g in range(_CH // 16):
        rows = lane + g * 16
        for t in range(_M - _TAIL0):
            plsc.store_scatter(zb, [rows, jnp.full((16,), _TAIL0 + t, jnp.int32)],
                               zeros16)

    for s in range(_NCH):
        for g in range(_CH // 16):
            lab16 = labs_v[pl.ds(s * _CH + g * 16, 16)]
            plsc.store_scatter(zb, [lane + g * 16, lab16], ones16)
        pltpu.sync_copy(zb, out_hbm.at[pl.ds(base + s * _CH, _CH)])
        for g in range(_CH // 16):
            lab16 = labs_v[pl.ds(s * _CH + g * 16, 16)]
            plsc.store_scatter(zb, [lane + g * 16, lab16], zeros16)

    for k in range(_NCH):
        b = k % 2
        gathers[k].wait()
        h = pltpu.make_async_copy(
            cbufs[b], out_hbm.at[pl.ds(_NL + base + k * _CH, _CH)], ssems[b])
        h.start()
        scatters[k] = h
        if k + 2 < _NCH:
            h.wait()
            _start_gather(k + 2)
    scatters[_NCH - 2].wait()
    scatters[_NCH - 1].wait()


def kernel(probs, labs, L, U):
    mesh = plsc.VectorSubcoreMesh(core_axis_name="c", subcore_axis_name="s")
    run = functools.partial(
        pl.kernel,
        mesh=mesh,
        compiler_params=pltpu.CompilerParams(
            needs_layout_passes=False, use_tc_tiling_on_sc=True),
        out_type=jax.ShapeDtypeStruct((_N, _M), jnp.float32),
        scratch_types=[
            pltpu.VMEM((_RW,), jnp.int32),
            pltpu.VMEM((_CH, _M), jnp.float32),
            pltpu.VMEM((_CH, _M), jnp.float32),
            pltpu.VMEM((_CH, _M), jnp.float32),
            pltpu.SemaphoreType.DMA,
            pltpu.SemaphoreType.DMA,
            pltpu.SemaphoreType.DMA,
            pltpu.SemaphoreType.DMA,
        ],
    )(_body)
    return run(probs, labs.astype(jnp.int32))

# --- scband reference (transcript-rebuilt; emitter-appended) ---
"""Pipeline reference for scband-labeler-16535624090485 (READ-ONLY COPY).

The authoritative reference and input builder live on the scoring server;
editing this copy changes nothing except your own understanding.
"""

import jax, jax.numpy as jnp
import numpy as np

N = 16384
M = 1000
NL = 8192

def setup_inputs(seed: int = 0) -> dict:
    key = jax.random.key(seed)
    k1, k2 = jax.random.split(key)
    # probs mimic a CNN softmax output: rows sum to 1
    logits = jax.random.normal(k1, (N, M), dtype=jnp.float32)
    probs = jax.nn.softmax(logits, axis=1)
    labs = jax.random.randint(k2, (NL,), 0, M, dtype=jnp.int64)
    # disjoint labeled / unlabeled index sets (partition of [0, N))
    L = jnp.arange(NL, dtype=jnp.int64)
    U = jnp.arange(NL, N, dtype=jnp.int64)
    return {"probs": probs, "labs": labs, "L": L, "U": U}

def reference(probs, labs, L, U):
    # Faithful translation of Labeler._init_probs_prior with proxies=0:
    #   ps = zeros(n, m); ps[U, :] = probs[U, :]; ps[L, labs] = 1.0
    n = L.shape[0] + U.shape[0]
    m = probs.shape[1]
    ps = jnp.zeros((n, m), dtype=probs.dtype)
    ps = ps.at[U, :].set(probs[U, :])
    ps = ps.at[L, labs].set(jnp.float32(1.0))
    return ps

if __name__ == "__main__":
    import jax
    _d = setup_inputs()
    print(jax.jit(kernel)(*tuple(_d.values())))

</pallas_src>

<mosaic_0001>
#map = affine_map<(d0, d1) -> (0, 0)>
#map1 = affine_map<(d0, d1) -> (0)>
module attributes {stable_mosaic.version = 14 : i64} {
  func.func @_body(%arg0: i32, %arg1: i32, %arg2: memref<16384x1000xf32, #tpu.memory_space<hbm>>, %arg3: memref<8192xi32, #tpu.memory_space<hbm>>, %arg4: memref<16384x1000xf32, #tpu.memory_space<hbm>>, %arg5: memref<256xi32, #tpu.memory_space<vmem>>, %arg6: memref<32x1000xf32, #tpu.memory_space<vmem>>, %arg7: memref<32x1000xf32, #tpu.memory_space<vmem>>, %arg8: memref<32x1000xf32, #tpu.memory_space<vmem>>, %arg9: memref<!tpu.dma_semaphore, #tpu.memory_space<semaphore_mem>>, %arg10: memref<!tpu.dma_semaphore, #tpu.memory_space<semaphore_mem>>, %arg11: memref<!tpu.dma_semaphore, #tpu.memory_space<semaphore_mem>>, %arg12: memref<!tpu.dma_semaphore, #tpu.memory_space<semaphore_mem>>) attributes {dimension_semantics = [#tpu.dimension_semantics<core_parallel>, #tpu.dimension_semantics<subcore_parallel>], iteration_bounds = array<i64: 2, 16>, scalar_prefetch = 0 : i64, scratch_operands = 8 : i64, tpu.core_type = #tpu.core_type<sc_vector_subcore>, window_params = [{transform_indices = #map}, {transform_indices = #map1}, {transform_indices = #map}]} {
    %mul3A = arith.constant 16 : i32
    %mul3A_0 = arith.muli %arg0, %mul3A : i32
    %add3A = arith.addi %mul3A_0, %arg1 : i32
    %mul3A_1 = arith.constant 256 : i32
    %mul3A_2 = arith.muli %add3A, %mul3A_1 : i32
    "tpu.region"() ({
      %run_scoped3A = tpu.sem_alloc : memref<!tpu.dma_semaphore, #tpu.memory_space<semaphore_mem>>
      %dma_start3A_414 = tpu.memref_slice %arg3[%mul3A_2] : memref<8192xi32, #tpu.memory_space<hbm>> -> memref<256xi32, #tpu.memory_space<hbm>>
      %dma_start3A_415 = tpu.memref_slice %arg3[%mul3A_2] : memref<8192xi32, #tpu.memory_space<hbm>> -> memref<256xi32, #tpu.memory_space<hbm>>
      tpu.enqueue_dma source(%dma_start3A_415 : memref<256xi32, #tpu.memory_space<hbm>>) target(%arg5 : memref<256xi32, #tpu.memory_space<vmem>>) target_semaphore(%run_scoped3A : memref<!tpu.dma_semaphore, #tpu.memory_space<semaphore_mem>>)
      %dma_wait3A_416 = tpu.memref_slice %arg3[%mul3A_2] : memref<8192xi32, #tpu.memory_space<hbm>> -> memref<256xi32, #tpu.memory_space<hbm>>
      %dma_wait3A_417 = tpu.memref_slice %arg3[%mul3A_2] : memref<8192xi32, #tpu.memory_space<hbm>> -> memref<256xi32, #tpu.memory_space<hbm>>
      tpu.wait_dma2 semaphore(%run_scoped3A : memref<!tpu.dma_semaphore, #tpu.memory_space<semaphore_mem>>) src(%dma_wait3A_417 : memref<256xi32, #tpu.memory_space<hbm>>) dst(%arg5 : memref<256xi32, #tpu.memory_space<vmem>>)
      tpu.yield
    }) : () -> ()
    %broadcast_in_dim3A = arith.constant 0.000000e+00 : f32
    %broadcast_in_dim3A_3 = vector.broadcast %broadcast_in_dim3A : f32 to vector<16xf32>
    %broadcast_in_dim3A_4 = arith.constant 1.000000e+00 : f32
    %broadcast_in_dim3A_5 = vector.broadcast %broadcast_in_dim3A_4 : f32 to vector<16xf32>
    %iota3A = tpu.iota {dimensions = array<i32: 0>} : vector<16xi32>
    %add3A_6 = arith.constant 8192 : i32
    %add3A_7 = arith.addi %add3A_6, %mul3A_2 : i32
    %add3A_8 = arith.constant 0 : i32
    %add3A_9 = arith.addi %add3A_7, %add3A_8 : i32
    %dma_start3A = arith.constant 0 : i32
    %dma_start3A_10 = tpu.memref_slice %arg2[%add3A_9, %dma_start3A] : memref<16384x1000xf32, #tpu.memory_space<hbm>> -> memref<32x1000xf32, #tpu.memory_space<hbm>>
    %dma_start3A_11 = arith.constant 0 : i32
    %dma_start3A_12 = tpu.memref_slice %arg2[%add3A_9, %dma_start3A_11] : memref<16384x1000xf32, #tpu.memory_space<hbm>> -> memref<32x1000xf32, #tpu.memory_space<hbm>>
    tpu.enqueue_dma source(%dma_start3A_12 : memref<32x1000xf32, #tpu.memory_space<hbm>>) target(%arg7 : memref<32x1000xf32, #tpu.memory_space<vmem>>) target_semaphore(%arg9 : memref<!tpu.dma_semaphore, #tpu.memory_space<semaphore_mem>>)
    %add3A_13 = arith.constant 8192 : i32
    %add3A_14 = arith.addi %add3A_13, %mul3A_2 : i32
    %add3A_15 = arith.constant 32 : i32
    %add3A_16 = arith.addi %add3A_14, %add3A_15 : i32
    %dma_start3A_17 = arith.constant 0 : i32
    %dma_start3A_18 = tpu.memref_slice %arg2[%add3A_16, %dma_start3A_17] : memref<16384x1000xf32, #tpu.memory_space<hbm>> -> memref<32x1000xf32, #tpu.memory_space<hbm>>
    %dma_start3A_19 = arith.constant 0 : i32
    %dma_start3A_20 = tpu.memref_slice %arg2[%add3A_16, %dma_start3A_19] : memref<16384x1000xf32, #tpu.memory_space<hbm>> -> memref<32x1000xf32, #tpu.memory_space<hbm>>
    tpu.enqueue_dma source(%dma_start3A_20 : memref<32x1000xf32, #tpu.memory_space<hbm>>) target(%arg8 : memref<32x1000xf32, #tpu.memory_space<vmem>>) target_semaphore(%arg10 : memref<!tpu.dma_semaphore, #tpu.memory_space<semaphore_mem>>)
    %scan3A = arith.constant 0 : i32
    %scan3A_21 = arith.constant 0 : i32
    %scan3A_22 = arith.constant 32 : i32
    %scan3A_23 = arith.addi %scan3A_21, %scan3A_22 : i32
    %scan3A_24 = arith.constant 1 : i32
    scf.for %scan3A_414 = %scan3A_21 to %scan3A_23 step %scan3A_24  : i32 {
      %swap3A = arith.index_cast %scan3A_414 : i32 to index
      %swap3A_415 = arith.constant 0 : index
      %swap3A_416 = tpu.vector_load %arg6[%swap3A, %swap3A_415] {strides = array<i32>} : memref<32x1000xf32, #tpu.memory_space<vmem>>, vector<16xf32>,
      tpu.vector_store %arg6[%swap3A, %swap3A_415], %broadcast_in_dim3A_3 {strides = array<i32>} : memref<32x1000xf32, #tpu.memory_space<vmem>>, vector<16xf32>,
      %swap3A_417 = arith.index_cast %scan3A_414 : i32 to index
      %swap3A_418 = arith.constant 16 : index
      %swap3A_419 = tpu.vector_load %arg6[%swap3A_417, %swap3A_418] {strides = array<i32>} : memref<32x1000xf32, #tpu.memory_space<vmem>>, vector<16xf32>,
      tpu.vector_store %arg6[%swap3A_417, %swap3A_418], %broadcast_in_dim3A_3 {strides = array<i32>} : memref<32x1000xf32, #tpu.memory_space<vmem>>, vector<16xf32>,
      %swap3A_420 = arith.index_cast %scan3A_414 : i32 to index
      %swap3A_421 = arith.constant 32 : index
      %swap3A_422 = tpu.vector_load %arg6[%swap3A_420, %swap3A_421] {strides = array<i32>} : memref<32x1000xf32, #tpu.memory_space<vmem>>, vector<16xf32>,
      tpu.vector_store %arg6[%swap3A_420, %swap3A_421], %broadcast_in_dim3A_3 {strides = array<i32>} : memref<32x1000xf32, #tpu.memory_space<vmem>>, vector<16xf32>,
      %swap3A_423 = arith.index_cast %scan3A_414 : i32 to index
      %swap3A_424 = arith.constant 48 : index
      %swap3A_425 = tpu.vector_load %arg6[%swap3A_423, %swap3A_424] {strides = array<i32>} : memref<32x1000xf32, #tpu.memory_space<vmem>>, vector<16xf32>,
      tpu.vector_store %arg6[%swap3A_423, %swap3A_424], %broadcast_in_dim3A_3 {strides = array<i32>} : memref<32x1000xf32, #tpu.memory_space<vmem>>, vector<16xf32>,
      %swap3A_426 = arith.index_cast %scan3A_414 : i32 to index
      %swap3A_427 = arith.constant 64 : index
      %swap3A_428 = tpu.vector_load %arg6[%swap3A_426, %swap3A_427] {strides = array<i32>} : memref<32x1000xf32, #tpu.memory_space<vmem>>, vector<16xf32>,
      tpu.vector_store %arg6[%swap3A_426, %swap3A_427], %broadcast_in_dim3A_3 {strides = array<i32>} : memref<32x1000xf32, #tpu.memory_space<vmem>>, vector<16xf32>,
      %swap3A_429 = arith.index_cast %scan3A_414 : i32 to index
      %swap3A_430 = arith.constant 80 : index
      %swap3A_431 = tpu.vector_load %arg6[%swap3A_429, %swap3A_430] {strides = array<i32>} : memref<32x1000xf32, #tpu.memory_space<vmem>>, vector<16xf32>,
      tpu.vector_store %arg6[%swap3A_429, %swap3A_430], %broadcast_in_dim3A_3 {strides = array<i32>} : memref<32x1000xf32, #tpu.memory_space<vmem>>, vector<16xf32>,
      %swap3A_432 = arith.index_cast %scan3A_414 : i32 to index
      %swap3A_433 = arith.constant 96 : index
      %swap3A_434 = tpu.vector_load %arg6[%swap3A_432, %swap3A_433] {strides = array<i32>} : memref<32x1000xf32, #tpu.memory_space<vmem>>, vector<16xf32>,
      tpu.vector_store %arg6[%swap3A_432, %swap3A_433], %broadcast_in_dim3A_3 {strides = array<i32>} : memref<32x1000xf32, #tpu.memory_space<vmem>>, vector<16xf32>,
      %swap3A_435 = arith.index_cast %scan3A_414 : i32 to index
      %swap3A_436 = arith.constant 112 : index
      %swap3A_437 = tpu.vector_load %arg6[%swap3A_435, %swap3A_436] {strides = array<i32>} : memref<32x1000xf32, #tpu.memory_space<vmem>>, vector<16xf32>,
      tpu.vector_store %arg6[%swap3A_435, %swap3A_436], %broadcast_in_dim3A_3 {strides = array<i32>} : memref<32x1000xf32, #tpu.memory_space<vmem>>, vector<16xf32>,
      %swap3A_438 = arith.index_cast %scan3A_414 : i32 to index
      %swap3A_439 = arith.constant 128 : index
      %swap3A_440 = tpu.vector_load %arg6[%swap3A_438, %swap3A_439] {strides = array<i32>} : memref<32x1000xf32, #tpu.memory_space<vmem>>, vector<16xf32>,
      tpu.vector_store %arg6[%swap3A_438, %swap3A_439], %broadcast_in_dim3A_3 {strides = array<i32>} : memref<32x1000xf32, #tpu.memory_space<vmem>>, vector<16xf32>,
      %swap3A_441 = arith.index_cast %scan3A_414 : i32 to index
      %swap3A_442 = arith.constant 144 : index
      %swap3A_443 = tpu.vector_load %arg6[%swap3A_441, %swap3A_442] {strides = array<i32>} : memref<32x1000xf32, #tpu.memory_space<vmem>>, vector<16xf32>,
      tpu.vector_store %arg6[%swap3A_441, %swap3A_442], %broadcast_in_dim3A_3 {strides = array<i32>} : memref<32x1000xf32, #tpu.memory_space<vmem>>, vector<16xf32>,
      %swap3A_444 = arith.index_cast %scan3A_414 : i32 to index
      %swap3A_445 = arith.constant 160 : index
      %swap3A_446 = tpu.vector_load %arg6[%swap3A_444, %swap3A_445] {strides = array<i32>} : memref<32x1000xf32, #tpu.memory_space<vmem>>, vector<16xf32>,
      tpu.vector_store %arg6[%swap3A_444, %swap3A_445], %broadcast_in_dim3A_3 {strides = array<i32>} : memref<32x1000xf32, #tpu.memory_space<vmem>>, vector<16xf32>,
      %swap3A_447 = arith.index_cast %scan3A_414 : i32 to index
      %swap3A_448 = arith.constant 176 : index
      %swap3A_449 = tpu.vector_load %arg6[%swap3A_447, %swap3A_448] {strides = array<i32>} : memref<32x1000xf32, #tpu.memory_space<vmem>>, vector<16xf32>,
      tpu.vector_store %arg6[%swap3A_447, %swap3A_448], %broadcast_in_dim3A_3 {strides = array<i32>} : memref<32x1000xf32, #tpu.memory_space<vmem>>, vector<16xf32>,
      %swap3A_450 = arith.index_cast %scan3A_414 : i32 to index
      %swap3A_451 = arith.constant 192 : index
      %swap3A_452 = tpu.vector_load %arg6[%swap3A_450, %swap3A_451] {strides = array<i32>} : memref<32x1000xf32, #tpu.memory_space<vmem>>, vector<16xf32>,
      tpu.vector_store %arg6[%swap3A_450, %swap3A_451], %broadcast_in_dim3A_3 {strides = array<i32>} : memref<32x1000xf32, #tpu.memory_space<vmem>>, vector<16xf32>,
      %swap3A_453 = arith.index_cast %scan3A_414 : i32 to index
      %swap3A_454 = arith.constant 208 : index
      %swap3A_455 = tpu.vector_load %arg6[%swap3A_453, %swap3A_454] {strides = array<i32>} : memref<32x1000xf32, #tpu.memory_space<vmem>>, vector<16xf32>,
      tpu.vector_store %arg6[%swap3A_453, %swap3A_454], %broadcast_in_dim3A_3 {strides = array<i32>} : memref<32x1000xf32, #tpu.memory_space<vmem>>, vector<16xf32>,
      %swap3A_456 = arith.index_cast %scan3A_414 : i32 to index
      %swap3A_457 = arith.constant 224 : index
      %swap3A_458 = tpu.vector_load %arg6[%swap3A_456, %swap3A_457] {strides = array<i32>} : memref<32x1000xf32, #tpu.memory_space<vmem>>, vector<16xf32>,
      tpu.vector_store %arg6[%swap3A_456, %swap3A_457], %broadcast_in_dim3A_3 {strides = array<i32>} : memref<32x1000xf32, #tpu.memory_space<vmem>>, vector<16xf32>,
      %swap3A_459 = arith.index_cast %scan3A_414 : i32 to index
      %swap3A_460 = arith.constant 240 : index
      %swap3A_461 = tpu.vector_load %arg6[%swap3A_459, %swap3A_460] {strides = array<i32>} : memref<32x1000xf32, #tpu.memory_space<vmem>>, vector<16xf32>,
      tpu.vector_store %arg6[%swap3A_459, %swap3A_460], %broadcast_in_dim3A_3 {strides = array<i32>} : memref<32x1000xf32, #tpu.memory_space<vmem>>, vector<16xf32>,
      %swap3A_462 = arith.index_cast %scan3A_414 : i32 to index
      %swap3A_463 = arith.constant 256 : index
      %swap3A_464 = tpu.vector_load %arg6[%swap3A_462, %swap3A_463] {strides = array<i32>} : memref<32x1000xf32, #tpu.memory_space<vmem>>, vector<16xf32>,
      tpu.vector_store %arg6[%swap3A_462, %swap3A_463], %broadcast_in_dim3A_3 {strides = array<i32>} : memref<32x1000xf32, #tpu.memory_space<vmem>>, vector<16xf32>,
      %swap3A_465 = arith.index_cast %scan3A_414 : i32 to index
      %swap3A_466 = arith.constant 272 : index
      %swap3A_467 = tpu.vector_load %arg6[%swap3A_465, %swap3A_466] {strides = array<i32>} : memref<32x1000xf32, #tpu.memory_space<vmem>>, vector<16xf32>,
      tpu.vector_store %arg6[%swap3A_465, %swap3A_466], %broadcast_in_dim3A_3 {strides = array<i32>} : memref<32x1000xf32, #tpu.memory_space<vmem>>, vector<16xf32>,
      %swap3A_468 = arith.index_cast %scan3A_414 : i32 to index
      %swap3A_469 = arith.constant 288 : index
      %swap3A_470 = tpu.vector_load %arg6[%swap3A_468, %swap3A_469] {strides = array<i32>} : memref<32x1000xf32, #tpu.memory_space<vmem>>, vector<16xf32>,
      tpu.vector_store %arg6[%swap3A_468, %swap3A_469], %broadcast_in_dim3A_3 {strides = array<i32>} : memref<32x1000xf32, #tpu.memory_space<vmem>>, vector<16xf32>,
      %swap3A_471 = arith.index_cast %scan3A_414 : i32 to index
      %swap3A_472 = arith.constant 304 : index
      %swap3A_473 = tpu.vector_load %arg6[%swap3A_471, %swap3A_472] {strides = array<i32>} : memref<32x1000xf32, #tpu.memory_space<vmem>>, vector<16xf32>,
      tpu.vector_store %arg6[%swap3A_471, %swap3A_472], %broadcast_in_dim3A_3 {strides = array<i32>} : memref<32x1000xf32, #tpu.memory_space<vmem>>, vector<16xf32>,
      %swap3A_474 = arith.index_cast %scan3A_414 : i32 to index
      %swap3A_475 = arith.constant 320 : index
      %swap3A_476 = tpu.vector_load %arg6[%swap3A_474, %swap3A_475] {strides = array<i32>} : memref<32x1000xf32, #tpu.memory_space<vmem>>, vector<16xf32>,
      tpu.vector_store %arg6[%swap3A_474, %swap3A_475], %broadcast_in_dim3A_3 {strides = array<i32>} : memref<32x1000xf32, #tpu.memory_space<vmem>>, vector<16xf32>,
      %swap3A_477 = arith.index_cast %scan3A_414 : i32 to index
      %swap3A_478 = arith.constant 336 : index
      %swap3A_479 = tpu.vector_load %arg6[%swap3A_477, %swap3A_478] {strides = array<i32>} : memref<32x1000xf32, #tpu.memory_space<vmem>>, vector<16xf32>,
      tpu.vector_store %arg6[%swap3A_477, %swap3A_478], %broadcast_in_dim3A_3 {strides = array<i32>} : memref<32x1000xf32, #tpu.memory_space<vmem>>, vector<16xf32>,
      %swap3A_480 = arith.index_cast %scan3A_414 : i32 to index
      %swap3A_481 = arith.constant 352 : index
      %swap3A_482 = tpu.vector_load %arg6[%swap3A_480, %swap3A_481] {strides = array<i32>} : memref<32x1000xf32, #tpu.memory_space<vmem>>, vector<16xf32>,
      tpu.vector_store %arg6[%swap3A_480, %swap3A_481], %broadcast_in_dim3A_3 {strides = array<i32>} : memref<32x1000xf32, #tpu.memory_space<vmem>>, vector<16xf32>,
      %swap3A_483 = arith.index_cast %scan3A_414 : i32 to index
      %swap3A_484 = arith.constant 368 : index
      %swap3A_485 = tpu.vector_load %arg6[%swap3A_483, %swap3A_484] {strides = array<i32>} : memref<32x1000xf32, #tpu.memory_space<vmem>>, vector<16xf32>,
      tpu.vector_store %arg6[%swap3A_483, %swap3A_484], %broadcast_in_dim3A_3 {strides = array<i32>} : memref<32x1000xf32, #tpu.memory_space<vmem>>, vector<16xf32>,
      %swap3A_486 = arith.index_cast %scan3A_414 : i32 to index
      %swap3A_487 = arith.constant 384 : index
      %swap3A_488 = tpu.vector_load %arg6[%swap3A_486, %swap3A_487] {strides = array<i32>} : memref<32x1000xf32, #tpu.memory_space<vmem>>, vector<16xf32>,
      tpu.vector_store %arg6[%swap3A_486, %swap3A_487], %broadcast_in_dim3A_3 {strides = array<i32>} : memref<32x1000xf32, #tpu.memory_space<vmem>>, vector<16xf32>,
      %swap3A_489 = arith.index_cast %scan3A_414 : i32 to index
      %swap3A_490 = arith.constant 400 : index
      %swap3A_491 = tpu.vector_load %arg6[%swap3A_489, %swap3A_490] {strides = array<i32>} : memref<32x1000xf32, #tpu.memory_space<vmem>>, vector<16xf32>,
      tpu.vector_store %arg6[%swap3A_489, %swap3A_490], %broadcast_in_dim3A_3 {strides = array<i32>} : memref<32x1000xf32, #tpu.memory_space<vmem>>, vector<16xf32>,
      %swap3A_492 = arith.index_cast %scan3A_414 : i32 to index
      %swap3A_493 = arith.constant 416 : index
      %swap3A_494 = tpu.vector_load %arg6[%swap3A_492, %swap3A_493] {strides = array<i32>} : memref<32x1000xf32, #tpu.memory_space<vmem>>, vector<16xf32>,
      tpu.vector_store %arg6[%swap3A_492, %swap3A_493], %broadcast_in_dim3A_3 {strides = array<i32>} : memref<32x1000xf32, #tpu.memory_space<vmem>>, vector<16xf32>,
      %swap3A_495 = arith.index_cast %scan3A_414 : i32 to index
      %swap3A_496 = arith.constant 432 : index
      %swap3A_497 = tpu.vector_load %arg6[%swap3A_495, %swap3A_496] {strides = array<i32>} : memref<32x1000xf32, #tpu.memory_space<vmem>>, vector<16xf32>,
      tpu.vector_store %arg6[%swap3A_495, %swap3A_496], %broadcast_in_dim3A_3 {strides = array<i32>} : memref<32x1000xf32, #tpu.memory_space<vmem>>, vector<16xf32>,
      %swap3A_498 = arith.index_cast %scan3A_414 : i32 to index
      %swap3A_499 = arith.constant 448 : index
      %swap3A_500 = tpu.vector_load %arg6[%swap3A_498, %swap3A_499] {strides = array<i32>} : memref<32x1000xf32, #tpu.memory_space<vmem>>, vector<16xf32>,
      tpu.vector_store %arg6[%swap3A_498, %swap3A_499], %broadcast_in_dim3A_3 {strides = array<i32>} : memref<32x1000xf32, #tpu.memory_space<vmem>>, vector<16xf32>,
      %swap3A_501 = arith.index_cast %scan3A_414 : i32 to index
      %swap3A_502 = arith.constant 464 : index
      %swap3A_503 = tpu.vector_load %arg6[%swap3A_501, %swap3A_502] {strides = array<i32>} : memref<32x1000xf32, #tpu.memory_space<vmem>>, vector<16xf32>,
      tpu.vector_store %arg6[%swap3A_501, %swap3A_502], %broadcast_in_dim3A_3 {strides = array<i32>} : memref<32x1000xf32, #tpu.memory_space<vmem>>, vector<16xf32>,
      %swap3A_504 = arith.index_cast %scan3A_414 : i32 to index
      %swap3A_505 = arith.constant 480 : index
      %swap3A_506 = tpu.vector_load %arg6[%swap3A_504, %swap3A_505] {strides = array<i32>} : memref<32x1000xf32, #tpu.memory_space<vmem>>, vector<16xf32>,
      tpu.vector_store %arg6[%swap3A_504, %swap3A_505], %broadcast_in_dim3A_3 {strides = array<i32>} : memref<32x1000xf32, #tpu.memory_space<vmem>>, vector<16xf32>,
      %swap3A_507 = arith.index_cast %scan3A_414 : i32 to index
      %swap3A_508 = arith.constant 496 : index
      %swap3A_509 = tpu.vector_load %arg6[%swap3A_507, %swap3A_508] {strides = array<i32>} : memref<32x1000xf32, #tpu.memory_space<vmem>>, vector<16xf32>,
      tpu.vector_store %arg6[%swap3A_507, %swap3A_508], %broadcast_in_dim3A_3 {strides = array<i32>} : memref<32x1000xf32, #tpu.memory_space<vmem>>, vector<16xf32>,
      %swap3A_510 = arith.index_cast %scan3A_414 : i32 to index
      %swap3A_511 = arith.constant 512 : index
      %swap3A_512 = tpu.vector_load %arg6[%swap3A_510, %swap3A_511] {strides = array<i32>} : memref<32x1000xf32, #tpu.memory_space<vmem>>, vector<16xf32>,
      tpu.vector_store %arg6[%swap3A_510, %swap3A_511], %broadcast_in_dim3A_3 {strides = array<i32>} : memref<32x1000xf32, #tpu.memory_space<vmem>>, vector<16xf32>,
      %swap3A_513 = arith.index_cast %scan3A_414 : i32 to index
      %swap3A_514 = arith.constant 528 : index
      %swap3A_515 = tpu.vector_load %arg6[%swap3A_513, %swap3A_514] {strides = array<i32>} : memref<32x1000xf32, #tpu.memory_space<vmem>>, vector<16xf32>,
      tpu.vector_store %arg6[%swap3A_513, %swap3A_514], %broadcast_in_dim3A_3 {strides = array<i32>} : memref<32x1000xf32, #tpu.memory_space<vmem>>, vector<16xf32>,
      %swap3A_516 = arith.index_cast %scan3A_414 : i32 to index
      %swap3A_517 = arith.constant 544 : index
      %swap3A_518 = tpu.vector_load %arg6[%swap3A_516, %swap3A_517] {strides = array<i32>} : memref<32x1000xf32, #tpu.memory_space<vmem>>, vector<16xf32>,
      tpu.vector_store %arg6[%swap3A_516, %swap3A_517], %broadcast_in_dim3A_3 {strides = array<i32>} : memref<32x1000xf32, #tpu.memory_space<vmem>>, vector<16xf32>,
      %swap3A_519 = arith.index_cast %scan3A_414 : i32 to index
      %swap3A_520 = arith.constant 560 : index
      %swap3A_521 = tpu.vector_load %arg6[%swap3A_519, %swap3A_520] {strides = array<i32>} : memref<32x1000xf32, #tpu.memory_space<vmem>>, vector<16xf32>,
      tpu.vector_store %arg6[%swap3A_519, %swap3A_520], %broadcast_in_dim3A_3 {strides = array<i32>} : memref<32x1000xf32, #tpu.memory_space<vmem>>, vector<16xf32>,
      %swap3A_522 = arith.index_cast %scan3A_414 : i32 to index
      %swap3A_523 = arith.constant 576 : index
      %swap3A_524 = tpu.vector_load %arg6[%swap3A_522, %swap3A_523] {strides = array<i32>} : memref<32x1000xf32, #tpu.memory_space<vmem>>, vector<16xf32>,
      tpu.vector_store %arg6[%swap3A_522, %swap3A_523], %broadcast_in_dim3A_3 {strides = array<i32>} : memref<32x1000xf32, #tpu.memory_space<vmem>>, vector<16xf32>,
      %swap3A_525 = arith.index_cast %scan3A_414 : i32 to index
      %swap3A_526 = arith.constant 592 : index
      %swap3A_527 = tpu.vector_load %arg6[%swap3A_525, %swap3A_526] {strides = array<i32>} : memref<32x1000xf32, #tpu.memory_space<vmem>>, vector<16xf32>,
      tpu.vector_store %arg6[%swap3A_525, %swap3A_526], %broadcast_in_dim3A_3 {strides = array<i32>} : memref<32x1000xf32, #tpu.memory_space<vmem>>, vector<16xf32>,
      %swap3A_528 = arith.index_cast %scan3A_414 : i32 to index
      %swap3A_529 = arith.constant 608 : index
      %swap3A_530 = tpu.vector_load %arg6[%swap3A_528, %swap3A_529] {strides = array<i32>} : memref<32x1000xf32, #tpu.memory_space<vmem>>, vector<16xf32>,
      tpu.vector_store %arg6[%swap3A_528, %swap3A_529], %broadcast_in_dim3A_3 {strides = array<i32>} : memref<32x1000xf32, #tpu.memory_space<vmem>>, vector<16xf32>,
      %swap3A_531 = arith.index_cast %scan3A_414 : i32 to index
      %swap3A_532 = arith.constant 624 : index
      %swap3A_533 = tpu.vector_load %arg6[%swap3A_531, %swap3A_532] {strides = array<i32>} : memref<32x1000xf32, #tpu.memory_space<vmem>>, vector<16xf32>,
      tpu.vector_store %arg6[%swap3A_531, %swap3A_532], %broadcast_in_dim3A_3 {strides = array<i32>} : memref<32x1000xf32, #tpu.memory_space<vmem>>, vector<16xf32>,
      %swap3A_534 = arith.index_cast %scan3A_414 : i32 to index
      %swap3A_535 = arith.constant 640 : index
      %swap3A_536 = tpu.vector_load %arg6[%swap3A_534, %swap3A_535] {strides = array<i32>} : memref<32x1000xf32, #tpu.memory_space<vmem>>, vector<16xf32>,
      tpu.vector_store %arg6[%swap3A_534, %swap3A_535], %broadcast_in_dim3A_3 {strides = array<i32>} : memref<32x1000xf32, #tpu.memory_space<vmem>>, vector<16xf32>,
      %swap3A_537 = arith.index_cast %scan3A_414 : i32 to index
      %swap3A_538 = arith.constant 656 : index
      %swap3A_539 = tpu.vector_load %arg6[%swap3A_537, %swap3A_538] {strides = array<i32>} : memref<32x1000xf32, #tpu.memory_space<vmem>>, vector<16xf32>,
      tpu.vector_store %arg6[%swap3A_537, %swap3A_538], %broadcast_in_dim3A_3 {strides = array<i32>} : memref<32x1000xf32, #tpu.memory_space<vmem>>, vector<16xf32>,
      %swap3A_540 = arith.index_cast %scan3A_414 : i32 to index
      %swap3A_541 = arith.constant 672 : index
      %swap3A_542 = tpu.vector_load %arg6[%swap3A_540, %swap3A_541] {strides = array<i32>} : memref<32x1000xf32, #tpu.memory_space<vmem>>, vector<16xf32>,
      tpu.vector_store %arg6[%swap3A_540, %swap3A_541], %broadcast_in_dim3A_3 {strides = array<i32>} : memref<32x1000xf32, #tpu.memory_space<vmem>>, vector<16xf32>,
      %swap3A_543 = arith.index_cast %scan3A_414 : i32 to index
      %swap3A_544 = arith.constant 688 : index
      %swap3A_545 = tpu.vector_load %arg6[%swap3A_543, %swap3A_544] {strides = array<i32>} : memref<32x1000xf32, #tpu.memory_space<vmem>>, vector<16xf32>,
      tpu.vector_store %arg6[%swap3A_543, %swap3A_544], %broadcast_in_dim3A_3 {strides = array<i32>} : memref<32x1000xf32, #tpu.memory_space<vmem>>, vector<16xf32>,
      %swap3A_546 = arith.index_cast %scan3A_414 : i32 to index
      %swap3A_547 = arith.constant 704 : index
      %swap3A_548 = tpu.vector_load %arg6[%swap3A_546, %swap3A_547] {strides = array<i32>} : memref<32x1000xf32, #tpu.memory_space<vmem>>, vector<16xf32>,
      tpu.vector_store %arg6[%swap3A_546, %swap3A_547], %broadcast_in_dim3A_3 {strides = array<i32>} : memref<32x1000xf32, #tpu.memory_space<vmem>>, vector<16xf32>,
      %swap3A_549 = arith.index_cast %scan3A_414 : i32 to index
      %swap3A_550 = arith.constant 720 : index
      %swap3A_551 = tpu.vector_load %arg6[%swap3A_549, %swap3A_550] {strides = array<i32>} : memref<32x1000xf32, #tpu.memory_space<vmem>>, vector<16xf32>,
      tpu.vector_store %arg6[%swap3A_549, %swap3A_550], %broadcast_in_dim3A_3 {strides = array<i32>} : memref<32x1000xf32, #tpu.memory_space<vmem>>, vector<16xf32>,
      %swap3A_552 = arith.index_cast %scan3A_414 : i32 to index
      %swap3A_553 = arith.constant 736 : index
      %swap3A_554 = tpu.vector_load %arg6[%swap3A_552, %swap3A_553] {strides = array<i32>} : memref<32x1000xf32, #tpu.memory_space<vmem>>, vector<16xf32>,
      tpu.vector_store %arg6[%swap3A_552, %swap3A_553], %broadcast_in_dim3A_3 {strides = array<i32>} : memref<32x1000xf32, #tpu.memory_space<vmem>>, vector<16xf32>,
      %swap3A_555 = arith.index_cast %scan3A_414 : i32 to index
      %swap3A_556 = arith.constant 752 : index
      %swap3A_557 = tpu.vector_load %arg6[%swap3A_555, %swap3A_556] {strides = array<i32>} : memref<32x1000xf32, #tpu.memory_space<vmem>>, vector<16xf32>,
      tpu.vector_store %arg6[%swap3A_555, %swap3A_556], %broadcast_in_dim3A_3 {strides = array<i32>} : memref<32x1000xf32, #tpu.memory_space<vmem>>, vector<16xf32>,
      %swap3A_558 = arith.index_cast %scan3A_414 : i32 to index
      %swap3A_559 = arith.constant 768 : index
      %swap3A_560 = tpu.vector_load %arg6[%swap3A_558, %swap3A_559] {strides = array<i32>} : memref<32x1000xf32, #tpu.memory_space<vmem>>, vector<16xf32>,
      tpu.vector_store %arg6[%swap3A_558, %swap3A_559], %broadcast_in_dim3A_3 {strides = array<i32>} : memref<32x1000xf32, #tpu.memory_space<vmem>>, vector<16xf32>,
      %swap3A_561 = arith.index_cast %scan3A_414 : i32 to index
      %swap3A_562 = arith.constant 784 : index
      %swap3A_563 = tpu.vector_load %arg6[%swap3A_561, %swap3A_562] {strides = array<i32>} : memref<32x1000xf32, #tpu.memory_space<vmem>>, vector<16xf32>,
      tpu.vector_store %arg6[%swap3A_561, %swap3A_562], %broadcast_in_dim3A_3 {strides = array<i32>} : memref<32x1000xf32, #tpu.memory_space<vmem>>, vector<16xf32>,
      %swap3A_564 = arith.index_cast %scan3A_414 : i32 to index
      %swap3A_565 = arith.constant 800 : index
      %swap3A_566 = tpu.vector_load %arg6[%swap3A_564, %swap3A_565] {strides = array<i32>} : memref<32x1000xf32, #tpu.memory_space<vmem>>, vector<16xf32>,
      tpu.vector_store %arg6[%swap3A_564, %swap3A_565], %broadcast_in_dim3A_3 {strides = array<i32>} : memref<32x1000xf32, #tpu.memory_space<vmem>>, vector<16xf32>,
      %swap3A_567 = arith.index_cast %scan3A_414 : i32 to index
      %swap3A_568 = arith.constant 816 : index
      %swap3A_569 = tpu.vector_load %arg6[%swap3A_567, %swap3A_568] {strides = array<i32>} : memref<32x1000xf32, #tpu.memory_space<vmem>>, vector<16xf32>,
      tpu.vector_store %arg6[%swap3A_567, %swap3A_568], %broadcast_in_dim3A_3 {strides = array<i32>} : memref<32x1000xf32, #tpu.memory_space<vmem>>, vector<16xf32>,
      %swap3A_570 = arith.index_cast %scan3A_414 : i32 to index
      %swap3A_571 = arith.constant 832 : index
      %swap3A_572 = tpu.vector_load %arg6[%swap3A_570, %swap3A_571] {strides = array<i32>} : memref<32x1000xf32, #tpu.memory_space<vmem>>, vector<16xf32>,
      tpu.vector_store %arg6[%swap3A_570, %swap3A_571], %broadcast_in_dim3A_3 {strides = array<i32>} : memref<32x1000xf32, #tpu.memory_space<vmem>>, vector<16xf32>,
      %swap3A_573 = arith.index_cast %scan3A_414 : i32 to index
      %swap3A_574 = arith.constant 848 : index
      %swap3A_575 = tpu.vector_load %arg6[%swap3A_573, %swap3A_574] {strides = array<i32>} : memref<32x1000xf32, #tpu.memory_space<vmem>>, vector<16xf32>,
      tpu.vector_store %arg6[%swap3A_573, %swap3A_574], %broadcast_in_dim3A_3 {strides = array<i32>} : memref<32x1000xf32, #tpu.memory_space<vmem>>, vector<16xf32>,
      %swap3A_576 = arith.index_cast %scan3A_414 : i32 to index
      %swap3A_577 = arith.constant 864 : index
      %swap3A_578 = tpu.vector_load %arg6[%swap3A_576, %swap3A_577] {strides = array<i32>} : memref<32x1000xf32, #tpu.memory_space<vmem>>, vector<16xf32>,
      tpu.vector_store %arg6[%swap3A_576, %swap3A_577], %broadcast_in_dim3A_3 {strides = array<i32>} : memref<32x1000xf32, #tpu.memory_space<vmem>>, vector<16xf32>,
      %swap3A_579 = arith.index_cast %scan3A_414 : i32 to index
      %swap3A_580 = arith.constant 880 : index
      %swap3A_581 = tpu.vector_load %arg6[%swap3A_579, %swap3A_580] {strides = array<i32>} : memref<32x1000xf32, #tpu.memory_space<vmem>>, vector<16xf32>,
      tpu.vector_store %arg6[%swap3A_579, %swap3A_580], %broadcast_in_dim3A_3 {strides = array<i32>} : memref<32x1000xf32, #tpu.memory_space<vmem>>, vector<16xf32>,
      %swap3A_582 = arith.index_cast %scan3A_414 : i32 to index
      %swap3A_583 = arith.constant 896 : index
      %swap3A_584 = tpu.vector_load %arg6[%swap3A_582, %swap3A_583] {strides = array<i32>} : memref<32x1000xf32, #tpu.memory_space<vmem>>, vector<16xf32>,
      tpu.vector_store %arg6[%swap3A_582, %swap3A_583], %broadcast_in_dim3A_3 {strides = array<i32>} : memref<32x1000xf32, #tpu.memory_space<vmem>>, vector<16xf32>,
      %swap3A_585 = arith.index_cast %scan3A_414 : i32 to index
      %swap3A_586 = arith.constant 912 : index
      %swap3A_587 = tpu.vector_load %arg6[%swap3A_585, %swap3A_586] {strides = array<i32>} : memref<32x1000xf32, #tpu.memory_space<vmem>>, vector<16xf32>,
      tpu.vector_store %arg6[%swap3A_585, %swap3A_586], %broadcast_in_dim3A_3 {strides = array<i32>} : memref<32x1000xf32, #tpu.memory_space<vmem>>, vector<16xf32>,
      %swap3A_588 = arith.index_cast %scan3A_414 : i32 to index
      %swap3A_589 = arith.constant 928 : index
      %swap3A_590 = tpu.vector_load %arg6[%swap3A_588, %swap3A_589] {strides = array<i32>} : memref<32x1000xf32, #tpu.memory_space<vmem>>, vector<16xf32>,
      tpu.vector_store %arg6[%swap3A_588, %swap3A_589], %broadcast_in_dim3A_3 {strides = array<i32>} : memref<32x1000xf32, #tpu.memory_space<vmem>>, vector<16xf32>,
      %swap3A_591 = arith.index_cast %scan3A_414 : i32 to index
      %swap3A_592 = arith.constant 944 : index
      %swap3A_593 = tpu.vector_load %arg6[%swap3A_591, %swap3A_592] {strides = array<i32>} : memref<32x1000xf32, #tpu.memory_space<vmem>>, vector<16xf32>,
      tpu.vector_store %arg6[%swap3A_591, %swap3A_592], %broadcast_in_dim3A_3 {strides = array<i32>} : memref<32x1000xf32, #tpu.memory_space<vmem>>, vector<16xf32>,
      %swap3A_594 = arith.index_cast %scan3A_414 : i32 to index
      %swap3A_595 = arith.constant 960 : index
      %swap3A_596 = tpu.vector_load %arg6[%swap3A_594, %swap3A_595] {strides = array<i32>} : memref<32x1000xf32, #tpu.memory_space<vmem>>, vector<16xf32>,
      tpu.vector_store %arg6[%swap3A_594, %swap3A_595], %broadcast_in_dim3A_3 {strides = array<i32>} : memref<32x1000xf32, #tpu.memory_space<vmem>>, vector<16xf32>,
      %swap3A_597 = arith.index_cast %scan3A_414 : i32 to index
      %swap3A_598 = arith.constant 976 : index
      %swap3A_599 = tpu.vector_load %arg6[%swap3A_597, %swap3A_598] {strides = array<i32>} : memref<32x1000xf32, #tpu.memory_space<vmem>>, vector<16xf32>,
      tpu.vector_store %arg6[%swap3A_597, %swap3A_598], %broadcast_in_dim3A_3 {strides = array<i32>} : memref<32x1000xf32, #tpu.memory_space<vmem>>, vector<16xf32>,
    }
    %scan3A_25 = arith.constant 32 : i32
    %add3A_26 = arith.constant 0 : i32
    %add3A_27 = vector.broadcast %add3A_26 : i32 to vector<16xi32>
    %add3A_28 = arith.addi %iota3A, %add3A_27 : vector<16xi32>
    %broadcast_in_dim3A_29 = arith.constant 992 : i32
    %broadcast_in_dim3A_30 = vector.broadcast %broadcast_in_dim3A_29 : i32 to vector<16xi32>
    tpu.vector_store_idx %arg6[%add3A_28, %broadcast_in_dim3A_30], %broadcast_in_dim3A_3 : memref<32x1000xf32, #tpu.memory_space<vmem>>[vector<16xi32>, vector<16xi32>], vector<16xf32>,
    %broadcast_in_dim3A_31 = arith.constant 993 : i32
    %broadcast_in_dim3A_32 = vector.broadcast %broadcast_in_dim3A_31 : i32 to vector<16xi32>
    tpu.vector_store_idx %arg6[%add3A_28, %broadcast_in_dim3A_32], %broadcast_in_dim3A_3 : memref<32x1000xf32, #tpu.memory_space<vmem>>[vector<16xi32>, vector<16xi32>], vector<16xf32>,
    %broadcast_in_dim3A_33 = arith.constant 994 : i32
    %broadcast_in_dim3A_34 = vector.broadcast %broadcast_in_dim3A_33 : i32 to vector<16xi32>
    tpu.vector_store_idx %arg6[%add3A_28, %broadcast_in_dim3A_34], %broadcast_in_dim3A_3 : memref<32x1000xf32, #tpu.memory_space<vmem>>[vector<16xi32>, vector<16xi32>], vector<16xf32>,
    %broadcast_in_dim3A_35 = arith.constant 995 : i32
    %broadcast_in_dim3A_36 = vector.broadcast %broadcast_in_dim3A_35 : i32 to vector<16xi32>
    tpu.vector_store_idx %arg6[%add3A_28, %broadcast_in_dim3A_36], %broadcast_in_dim3A_3 : memref<32x1000xf32, #tpu.memory_space<vmem>>[vector<16xi32>, vector<16xi32>], vector<16xf32>,
    %broadcast_in_dim3A_37 = arith.constant 996 : i32
    %broadcast_in_dim3A_38 = vector.broadcast %broadcast_in_dim3A_37 : i32 to vector<16xi32>
    tpu.vector_store_idx %arg6[%add3A_28, %broadcast_in_dim3A_38], %broadcast_in_dim3A_3 : memref<32x1000xf32, #tpu.memory_space<vmem>>[vector<16xi32>, vector<16xi32>], vector<16xf32>,
    %broadcast_in_dim3A_39 = arith.constant 997 : i32
    %broadcast_in_dim3A_40 = vector.broadcast %broadcast_in_dim3A_39 : i32 to vector<16xi32>
    tpu.vector_store_idx %arg6[%add3A_28, %broadcast_in_dim3A_40], %broadcast_in_dim3A_3 : memref<32x1000xf32, #tpu.memory_space<vmem>>[vector<16xi32>, vector<16xi32>], vector<16xf32>,
    %broadcast_in_dim3A_41 = arith.constant 998 : i32
    %broadcast_in_dim3A_42 = vector.broadcast %broadcast_in_dim3A_41 : i32 to vector<16xi32>
    tpu.vector_store_idx %arg6[%add3A_28, %broadcast_in_dim3A_42], %broadcast_in_dim3A_3 : memref<32x1000xf32, #tpu.memory_space<vmem>>[vector<16xi32>, vector<16xi32>], vector<16xf32>,
    %broadcast_in_dim3A_43 = arith.constant 999 : i32
    %broadcast_in_dim3A_44 = vector.broadcast %broadcast_in_dim3A_43 : i32 to vector<16xi32>
    tpu.vector_store_idx %arg6[%add3A_28, %broadcast_in_dim3A_44], %broadcast_in_dim3A_3 : memref<32x1000xf32, #tpu.memory_space<vmem>>[vector<16xi32>, vector<16xi32>], vector<16xf32>,
    %add3A_45 = arith.constant 16 : i32
    %add3A_46 = vector.broadcast %add3A_45 : i32 to vector<16xi32>
    %add3A_47 = arith.addi %iota3A, %add3A_46 : vector<16xi32>
    %broadcast_in_dim3A_48 = arith.constant 992 : i32
    %broadcast_in_dim3A_49 = vector.broadcast %broadcast_in_dim3A_48 : i32 to vector<16xi32>
    tpu.vector_store_idx %arg6[%add3A_47, %broadcast_in_dim3A_49], %broadcast_in_dim3A_3 : memref<32x1000xf32, #tpu.memory_space<vmem>>[vector<16xi32>, vector<16xi32>], vector<16xf32>,
    %broadcast_in_dim3A_50 = arith.constant 993 : i32
    %broadcast_in_dim3A_51 = vector.broadcast %broadcast_in_dim3A_50 : i32 to vector<16xi32>
    tpu.vector_store_idx %arg6[%add3A_47, %broadcast_in_dim3A_51], %broadcast_in_dim3A_3 : memref<32x1000xf32, #tpu.memory_space<vmem>>[vector<16xi32>, vector<16xi32>], vector<16xf32>,
    %broadcast_in_dim3A_52 = arith.constant 994 : i32
    %broadcast_in_dim3A_53 = vector.broadcast %broadcast_in_dim3A_52 : i32 to vector<16xi32>
    tpu.vector_store_idx %arg6[%add3A_47, %broadcast_in_dim3A_53], %broadcast_in_dim3A_3 : memref<32x1000xf32, #tpu.memory_space<vmem>>[vector<16xi32>, vector<16xi32>], vector<16xf32>,
    %broadcast_in_dim3A_54 = arith.constant 995 : i32
    %broadcast_in_dim3A_55 = vector.broadcast %broadcast_in_dim3A_54 : i32 to vector<16xi32>
    tpu.vector_store_idx %arg6[%add3A_47, %broadcast_in_dim3A_55], %broadcast_in_dim3A_3 : memref<32x1000xf32, #tpu.memory_space<vmem>>[vector<16xi32>, vector<16xi32>], vector<16xf32>,
    %broadcast_in_dim3A_56 = arith.constant 996 : i32
    %broadcast_in_dim3A_57 = vector.broadcast %broadcast_in_dim3A_56 : i32 to vector<16xi32>
    tpu.vector_store_idx %arg6[%add3A_47, %broadcast_in_dim3A_57], %broadcast_in_dim3A_3 : memref<32x1000xf32, #tpu.memory_space<vmem>>[vector<16xi32>, vector<16xi32>], vector<16xf32>,
    %broadcast_in_dim3A_58 = arith.constant 997 : i32
    %broadcast_in_dim3A_59 = vector.broadcast %broadcast_in_dim3A_58 : i32 to vector<16xi32>
    tpu.vector_store_idx %arg6[%add3A_47, %broadcast_in_dim3A_59], %broadcast_in_dim3A_3 : memref<32x1000xf32, #tpu.memory_space<vmem>>[vector<16xi32>, vector<16xi32>], vector<16xf32>,
    %broadcast_in_dim3A_60 = arith.constant 998 : i32
    %broadcast_in_dim3A_61 = vector.broadcast %broadcast_in_dim3A_60 : i32 to vector<16xi32>
    tpu.vector_store_idx %arg6[%add3A_47, %broadcast_in_dim3A_61], %broadcast_in_dim3A_3 : memref<32x1000xf32, #tpu.memory_space<vmem>>[vector<16xi32>, vector<16xi32>], vector<16xf32>,
    %broadcast_in_dim3A_62 = arith.constant 999 : i32
    %broadcast_in_dim3A_63 = vector.broadcast %broadcast_in_dim3A_62 : i32 to vector<16xi32>
    tpu.vector_store_idx %arg6[%add3A_47, %broadcast_in_dim3A_63], %broadcast_in_dim3A_3 : memref<32x1000xf32, #tpu.memory_space<vmem>>[vector<16xi32>, vector<16xi32>], vector<16xf32>,
    %get3A = arith.constant 0 : index
    %get3A_64 = tpu.vector_load %arg5[%get3A] {strides = array<i32>} : memref<256xi32, #tpu.memory_space<vmem>>, vector<16xi32>,
    %add3A_65 = arith.constant 0 : i32
    %add3A_66 = vector.broadcast %add3A_65 : i32 to vector<16xi32>
    %add3A_67 = arith.addi %iota3A, %add3A_66 : vector<16xi32>
    tpu.vector_store_idx %arg6[%add3A_67, %get3A_64], %broadcast_in_dim3A_5 : memref<32x1000xf32, #tpu.memory_space<vmem>>[vector<16xi32>, vector<16xi32>], vector<16xf32>,
    %get3A_68 = arith.constant 16 : index
    %get3A_69 = tpu.vector_load %arg5[%get3A_68] {strides = array<i32>} : memref<256xi32, #tpu.memory_space<vmem>>, vector<16xi32>,
    %add3A_70 = arith.constant 16 : i32
    %add3A_71 = vector.broadcast %add3A_70 : i32 to vector<16xi32>
    %add3A_72 = arith.addi %iota3A, %add3A_71 : vector<16xi32>
    tpu.vector_store_idx %arg6[%add3A_72, %get3A_69], %broadcast_in_dim3A_5 : memref<32x1000xf32, #tpu.memory_space<vmem>>[vector<16xi32>, vector<16xi32>], vector<16xf32>,
    %add3A_73 = arith.constant 0 : i32
    %add3A_74 = arith.addi %mul3A_2, %add3A_73 : i32
    "tpu.region"() ({
      %run_scoped3A = tpu.sem_alloc : memref<!tpu.dma_semaphore, #tpu.memory_space<semaphore_mem>>
      %dma_start3A_414 = arith.constant 0 : i32
      %dma_start3A_415 = tpu.memref_slice %arg4[%add3A_74, %dma_start3A_414] : memref<16384x1000xf32, #tpu.memory_space<hbm>> -> memref<32x1000xf32, #tpu.memory_space<hbm>>
      %dma_start3A_416 = arith.constant 0 : i32
      %dma_start3A_417 = tpu.memref_slice %arg4[%add3A_74, %dma_start3A_416] : memref<16384x1000xf32, #tpu.memory_space<hbm>> -> memref<32x1000xf32, #tpu.memory_space<hbm>>
      tpu.enqueue_dma source(%arg6 : memref<32x1000xf32, #tpu.memory_space<vmem>>) target(%dma_start3A_417 : memref<32x1000xf32, #tpu.memory_space<hbm>>) target_semaphore(%run_scoped3A : memref<!tpu.dma_semaphore, #tpu.memory_space<semaphore_mem>>)
      %dma_wait3A_418 = arith.constant 0 : i32
      %dma_wait3A_419 = tpu.memref_slice %arg4[%add3A_74, %dma_wait3A_418] : memref<16384x1000xf32, #tpu.memory_space<hbm>> -> memref<32x1000xf32, #tpu.memory_space<hbm>>
      %dma_wait3A_420 = arith.constant 0 : i32
      %dma_wait3A_421 = tpu.memref_slice %arg4[%add3A_74, %dma_wait3A_420] : memref<16384x1000xf32, #tpu.memory_space<hbm>> -> memref<32x1000xf32, #tpu.memory_space<hbm>>
      tpu.wait_dma2 semaphore(%run_scoped3A : memref<!tpu.dma_semaphore, #tpu.memory_space<semaphore_mem>>) src(%arg6 : memref<32x1000xf32, #tpu.memory_space<vmem>>) dst(%dma_wait3A_421 : memref<32x1000xf32, #tpu.memory_space<hbm>>)
      tpu.yield
    }) : () -> ()
    %get3A_75 = arith.constant 0 : index
    %get3A_76 = tpu.vector_load %arg5[%get3A_75] {strides = array<i32>} : memref<256xi32, #tpu.memory_space<vmem>>, vector<16xi32>,
    %add3A_77 = arith.constant 0 : i32
    %add3A_78 = vector.broadcast %add3A_77 : i32 to vector<16xi32>
    %add3A_79 = arith.addi %iota3A, %add3A_78 : vector<16xi32>
    tpu.vector_store_idx %arg6[%add3A_79, %get3A_76], %broadcast_in_dim3A_3 : memref<32x1000xf32, #tpu.memory_space<vmem>>[vector<16xi32>, vector<16xi32>], vector<16xf32>,
    %get3A_80 = arith.constant 16 : index
    %get3A_81 = tpu.vector_load %arg5[%get3A_80] {strides = array<i32>} : memref<256xi32, #tpu.memory_space<vmem>>, vector<16xi32>,
    %add3A_82 = arith.constant 16 : i32
    %add3A_83 = vector.broadcast %add3A_82 : i32 to vector<16xi32>
    %add3A_84 = arith.addi %iota3A, %add3A_83 : vector<16xi32>
    tpu.vector_store_idx %arg6[%add3A_84, %get3A_81], %broadcast_in_dim3A_3 : memref<32x1000xf32, #tpu.memory_space<vmem>>[vector<16xi32>, vector<16xi32>], vector<16xf32>,
    %get3A_85 = arith.constant 32 : index
    %get3A_86 = tpu.vector_load %arg5[%get3A_85] {strides = array<i32>} : memref<256xi32, #tpu.memory_space<vmem>>, vector<16xi32>,
    %add3A_87 = arith.constant 0 : i32
    %add3A_88 = vector.broadcast %add3A_87 : i32 to vector<16xi32>
    %add3A_89 = arith.addi %iota3A, %add3A_88 : vector<16xi32>
    tpu.vector_store_idx %arg6[%add3A_89, %get3A_86], %broadcast_in_dim3A_5 : memref<32x1000xf32, #tpu.memory_space<vmem>>[vector<16xi32>, vector<16xi32>], vector<16xf32>,
    %get3A_90 = arith.constant 48 : index
    %get3A_91 = tpu.vector_load %arg5[%get3A_90] {strides = array<i32>} : memref<256xi32, #tpu.memory_space<vmem>>, vector<16xi32>,
    %add3A_92 = arith.constant 16 : i32
    %add3A_93 = vector.broadcast %add3A_92 : i32 to vector<16xi32>
    %add3A_94 = arith.addi %iota3A, %add3A_93 : vector<16xi32>
    tpu.vector_store_idx %arg6[%add3A_94, %get3A_91], %broadcast_in_dim3A_5 : memref<32x1000xf32, #tpu.memory_space<vmem>>[vector<16xi32>, vector<16xi32>], vector<16xf32>,
    %add3A_95 = arith.constant 32 : i32
    %add3A_96 = arith.addi %mul3A_2, %add3A_95 : i32
    "tpu.region"() ({
      %run_scoped3A = tpu.sem_alloc : memref<!tpu.dma_semaphore, #tpu.memory_space<semaphore_mem>>
      %dma_start3A_414 = arith.constant 0 : i32
      %dma_start3A_415 = tpu.memref_slice %arg4[%add3A_96, %dma_start3A_414] : memref<16384x1000xf32, #tpu.memory_space<hbm>> -> memref<32x1000xf32, #tpu.memory_space<hbm>>
      %dma_start3A_416 = arith.constant 0 : i32
      %dma_start3A_417 = tpu.memref_slice %arg4[%add3A_96, %dma_start3A_416] : memref<16384x1000xf32, #tpu.memory_space<hbm>> -> memref<32x1000xf32, #tpu.memory_space<hbm>>
      tpu.enqueue_dma source(%arg6 : memref<32x1000xf32, #tpu.memory_space<vmem>>) target(%dma_start3A_417 : memref<32x1000xf32, #tpu.memory_space<hbm>>) target_semaphore(%run_scoped3A : memref<!tpu.dma_semaphore, #tpu.memory_space<semaphore_mem>>)
      %dma_wait3A_418 = arith.constant 0 : i32
      %dma_wait3A_419 = tpu.memref_slice %arg4[%add3A_96, %dma_wait3A_418] : memref<16384x1000xf32, #tpu.memory_space<hbm>> -> memref<32x1000xf32, #tpu.memory_space<hbm>>
      %dma_wait3A_420 = arith.constant 0 : i32
      %dma_wait3A_421 = tpu.memref_slice %arg4[%add3A_96, %dma_wait3A_420] : memref<16384x1000xf32, #tpu.memory_space<hbm>> -> memref<32x1000xf32, #tpu.memory_space<hbm>>
      tpu.wait_dma2 semaphore(%run_scoped3A : memref<!tpu.dma_semaphore, #tpu.memory_space<semaphore_mem>>) src(%arg6 : memref<32x1000xf32, #tpu.memory_space<vmem>>) dst(%dma_wait3A_421 : memref<32x1000xf32, #tpu.memory_space<hbm>>)
      tpu.yield
    }) : () -> ()
    %get3A_97 = arith.constant 32 : index
    %get3A_98 = tpu.vector_load %arg5[%get3A_97] {strides = array<i32>} : memref<256xi32, #tpu.memory_space<vmem>>, vector<16xi32>,
    %add3A_99 = arith.constant 0 : i32
    %add3A_100 = vector.broadcast %add3A_99 : i32 to vector<16xi32>
    %add3A_101 = arith.addi %iota3A, %add3A_100 : vector<16xi32>
    tpu.vector_store_idx %arg6[%add3A_101, %get3A_98], %broadcast_in_dim3A_3 : memref<32x1000xf32, #tpu.memory_space<vmem>>[vector<16xi32>, vector<16xi32>], vector<16xf32>,
    %get3A_102 = arith.constant 48 : index
    %get3A_103 = tpu.vector_load %arg5[%get3A_102] {strides = array<i32>} : memref<256xi32, #tpu.memory_space<vmem>>, vector<16xi32>,
    %add3A_104 = arith.constant 16 : i32
    %add3A_105 = vector.broadcast %add3A_104 : i32 to vector<16xi32>
    %add3A_106 = arith.addi %iota3A, %add3A_105 : vector<16xi32>
    tpu.vector_store_idx %arg6[%add3A_106, %get3A_103], %broadcast_in_dim3A_3 : memref<32x1000xf32, #tpu.memory_space<vmem>>[vector<16xi32>, vector<16xi32>], vector<16xf32>,
    %get3A_107 = arith.constant 64 : index
    %get3A_108 = tpu.vector_load %arg5[%get3A_107] {strides = array<i32>} : memref<256xi32, #tpu.memory_space<vmem>>, vector<16xi32>,
    %add3A_109 = arith.constant 0 : i32
    %add3A_110 = vector.broadcast %add3A_109 : i32 to vector<16xi32>
    %add3A_111 = arith.addi %iota3A, %add3A_110 : vector<16xi32>
    tpu.vector_store_idx %arg6[%add3A_111, %get3A_108], %broadcast_in_dim3A_5 : memref<32x1000xf32, #tpu.memory_space<vmem>>[vector<16xi32>, vector<16xi32>], vector<16xf32>,
    %get3A_112 = arith.constant 80 : index
    %get3A_113 = tpu.vector_load %arg5[%get3A_112] {strides = array<i32>} : memref<256xi32, #tpu.memory_space<vmem>>, vector<16xi32>,
    %add3A_114 = arith.constant 16 : i32
    %add3A_115 = vector.broadcast %add3A_114 : i32 to vector<16xi32>
    %add3A_116 = arith.addi %iota3A, %add3A_115 : vector<16xi32>
    tpu.vector_store_idx %arg6[%add3A_116, %get3A_113], %broadcast_in_dim3A_5 : memref<32x1000xf32, #tpu.memory_space<vmem>>[vector<16xi32>, vector<16xi32>], vector<16xf32>,
    %add3A_117 = arith.constant 64 : i32
    %add3A_118 = arith.addi %mul3A_2, %add3A_117 : i32
    "tpu.region"() ({
      %run_scoped3A = tpu.sem_alloc : memref<!tpu.dma_semaphore, #tpu.memory_space<semaphore_mem>>
      %dma_start3A_414 = arith.constant 0 : i32
      %dma_start3A_415 = tpu.memref_slice %arg4[%add3A_118, %dma_start3A_414] : memref<16384x1000xf32, #tpu.memory_space<hbm>> -> memref<32x1000xf32, #tpu.memory_space<hbm>>
      %dma_start3A_416 = arith.constant 0 : i32
      %dma_start3A_417 = tpu.memref_slice %arg4[%add3A_118, %dma_start3A_416] : memref<16384x1000xf32, #tpu.memory_space<hbm>> -> memref<32x1000xf32, #tpu.memory_space<hbm>>
      tpu.enqueue_dma source(%arg6 : memref<32x1000xf32, #tpu.memory_space<vmem>>) target(%dma_start3A_417 : memref<32x1000xf32, #tpu.memory_space<hbm>>) target_semaphore(%run_scoped3A : memref<!tpu.dma_semaphore, #tpu.memory_space<semaphore_mem>>)
      %dma_wait3A_418 = arith.constant 0 : i32
      %dma_wait3A_419 = tpu.memref_slice %arg4[%add3A_118, %dma_wait3A_418] : memref<16384x1000xf32, #tpu.memory_space<hbm>> -> memref<32x1000xf32, #tpu.memory_space<hbm>>
      %dma_wait3A_420 = arith.constant 0 : i32
      %dma_wait3A_421 = tpu.memref_slice %arg4[%add3A_118, %dma_wait3A_420] : memref<16384x1000xf32, #tpu.memory_space<hbm>> -> memref<32x1000xf32, #tpu.memory_space<hbm>>
      tpu.wait_dma2 semaphore(%run_scoped3A : memref<!tpu.dma_semaphore, #tpu.memory_space<semaphore_mem>>) src(%arg6 : memref<32x1000xf32, #tpu.memory_space<vmem>>) dst(%dma_wait3A_421 : memref<32x1000xf32, #tpu.memory_space<hbm>>)
      tpu.yield
    }) : () -> ()
    %get3A_119 = arith.constant 64 : index
    %get3A_120 = tpu.vector_load %arg5[%get3A_119] {strides = array<i32>} : memref<256xi32, #tpu.memory_space<vmem>>, vector<16xi32>,
    %add3A_121 = arith.constant 0 : i32
    %add3A_122 = vector.broadcast %add3A_121 : i32 to vector<16xi32>
    %add3A_123 = arith.addi %iota3A, %add3A_122 : vector<16xi32>
    tpu.vector_store_idx %arg6[%add3A_123, %get3A_120], %broadcast_in_dim3A_3 : memref<32x1000xf32, #tpu.memory_space<vmem>>[vector<16xi32>, vector<16xi32>], vector<16xf32>,
    %get3A_124 = arith.constant 80 : index
    %get3A_125 = tpu.vector_load %arg5[%get3A_124] {strides = array<i32>} : memref<256xi32, #tpu.memory_space<vmem>>, vector<16xi32>,
    %add3A_126 = arith.constant 16 : i32
    %add3A_127 = vector.broadcast %add3A_126 : i32 to vector<16xi32>
    %add3A_128 = arith.addi %iota3A, %add3A_127 : vector<16xi32>
    tpu.vector_store_idx %arg6[%add3A_128, %get3A_125], %broadcast_in_dim3A_3 : memref<32x1000xf32, #tpu.memory_space<vmem>>[vector<16xi32>, vector<16xi32>], vector<16xf32>,
    %get3A_129 = arith.constant 96 : index
    %get3A_130 = tpu.vector_load %arg5[%get3A_129] {strides = array<i32>} : memref<256xi32, #tpu.memory_space<vmem>>, vector<16xi32>,
    %add3A_131 = arith.constant 0 : i32
    %add3A_132 = vector.broadcast %add3A_131 : i32 to vector<16xi32>
    %add3A_133 = arith.addi %iota3A, %add3A_132 : vector<16xi32>
    tpu.vector_store_idx %arg6[%add3A_133, %get3A_130], %broadcast_in_dim3A_5 : memref<32x1000xf32, #tpu.memory_space<vmem>>[vector<16xi32>, vector<16xi32>], vector<16xf32>,
    %get3A_134 = arith.constant 112 : index
    %get3A_135 = tpu.vector_load %arg5[%get3A_134] {strides = array<i32>} : memref<256xi32, #tpu.memory_space<vmem>>, vector<16xi32>,
    %add3A_136 = arith.constant 16 : i32
    %add3A_137 = vector.broadcast %add3A_136 : i32 to vector<16xi32>
    %add3A_138 = arith.addi %iota3A, %add3A_137 : vector<16xi32>
    tpu.vector_store_idx %arg6[%add3A_138, %get3A_135], %broadcast_in_dim3A_5 : memref<32x1000xf32, #tpu.memory_space<vmem>>[vector<16xi32>, vector<16xi32>], vector<16xf32>,
    %add3A_139 = arith.constant 96 : i32
    %add3A_140 = arith.addi %mul3A_2, %add3A_139 : i32
    "tpu.region"() ({
      %run_scoped3A = tpu.sem_alloc : memref<!tpu.dma_semaphore, #tpu.memory_space<semaphore_mem>>
      %dma_start3A_414 = arith.constant 0 : i32
      %dma_start3A_415 = tpu.memref_slice %arg4[%add3A_140, %dma_start3A_414] : memref<16384x1000xf32, #tpu.memory_space<hbm>> -> memref<32x1000xf32, #tpu.memory_space<hbm>>
      %dma_start3A_416 = arith.constant 0 : i32
      %dma_start3A_417 = tpu.memref_slice %arg4[%add3A_140, %dma_start3A_416] : memref<16384x1000xf32, #tpu.memory_space<hbm>> -> memref<32x1000xf32, #tpu.memory_space<hbm>>
      tpu.enqueue_dma source(%arg6 : memref<32x1000xf32, #tpu.memory_space<vmem>>) target(%dma_start3A_417 : memref<32x1000xf32, #tpu.memory_space<hbm>>) target_semaphore(%run_scoped3A : memref<!tpu.dma_semaphore, #tpu.memory_space<semaphore_mem>>)
      %dma_wait3A_418 = arith.constant 0 : i32
      %dma_wait3A_419 = tpu.memref_slice %arg4[%add3A_140, %dma_wait3A_418] : memref<16384x1000xf32, #tpu.memory_space<hbm>> -> memref<32x1000xf32, #tpu.memory_space<hbm>>
      %dma_wait3A_420 = arith.constant 0 : i32
      %dma_wait3A_421 = tpu.memref_slice %arg4[%add3A_140, %dma_wait3A_420] : memref<16384x1000xf32, #tpu.memory_space<hbm>> -> memref<32x1000xf32, #tpu.memory_space<hbm>>
      tpu.wait_dma2 semaphore(%run_scoped3A : memref<!tpu.dma_semaphore, #tpu.memory_space<semaphore_mem>>) src(%arg6 : memref<32x1000xf32, #tpu.memory_space<vmem>>) dst(%dma_wait3A_421 : memref<32x1000xf32, #tpu.memory_space<hbm>>)
      tpu.yield
    }) : () -> ()
    %get3A_141 = arith.constant 96 : index
    %get3A_142 = tpu.vector_load %arg5[%get3A_141] {strides = array<i32>} : memref<256xi32, #tpu.memory_space<vmem>>, vector<16xi32>,
    %add3A_143 = arith.constant 0 : i32
    %add3A_144 = vector.broadcast %add3A_143 : i32 to vector<16xi32>
    %add3A_145 = arith.addi %iota3A, %add3A_144 : vector<16xi32>
    tpu.vector_store_idx %arg6[%add3A_145, %get3A_142], %broadcast_in_dim3A_3 : memref<32x1000xf32, #tpu.memory_space<vmem>>[vector<16xi32>, vector<16xi32>], vector<16xf32>,
    %get3A_146 = arith.constant 112 : index
    %get3A_147 = tpu.vector_load %arg5[%get3A_146] {strides = array<i32>} : memref<256xi32, #tpu.memory_space<vmem>>, vector<16xi32>,
    %add3A_148 = arith.constant 16 : i32
    %add3A_149 = vector.broadcast %add3A_148 : i32 to vector<16xi32>
    %add3A_150 = arith.addi %iota3A, %add3A_149 : vector<16xi32>
    tpu.vector_store_idx %arg6[%add3A_150, %get3A_147], %broadcast_in_dim3A_3 : memref<32x1000xf32, #tpu.memory_space<vmem>>[vector<16xi32>, vector<16xi32>], vector<16xf32>,
    %get3A_151 = arith.constant 128 : index
    %get3A_152 = tpu.vector_load %arg5[%get3A_151] {strides = array<i32>} : memref<256xi32, #tpu.memory_space<vmem>>, vector<16xi32>,
    %add3A_153 = arith.constant 0 : i32
    %add3A_154 = vector.broadcast %add3A_153 : i32 to vector<16xi32>
    %add3A_155 = arith.addi %iota3A, %add3A_154 : vector<16xi32>
    tpu.vector_store_idx %arg6[%add3A_155, %get3A_152], %broadcast_in_dim3A_5 : memref<32x1000xf32, #tpu.memory_space<vmem>>[vector<16xi32>, vector<16xi32>], vector<16xf32>,
    %get3A_156 = arith.constant 144 : index
    %get3A_157 = tpu.vector_load %arg5[%get3A_156] {strides = array<i32>} : memref<256xi32, #tpu.memory_space<vmem>>, vector<16xi32>,
    %add3A_158 = arith.constant 16 : i32
    %add3A_159 = vector.broadcast %add3A_158 : i32 to vector<16xi32>
    %add3A_160 = arith.addi %iota3A, %add3A_159 : vector<16xi32>
    tpu.vector_store_idx %arg6[%add3A_160, %get3A_157], %broadcast_in_dim3A_5 : memref<32x1000xf32, #tpu.memory_space<vmem>>[vector<16xi32>, vector<16xi32>], vector<16xf32>,
    %add3A_161 = arith.constant 128 : i32
    %add3A_162 = arith.addi %mul3A_2, %add3A_161 : i32
    "tpu.region"() ({
      %run_scoped3A = tpu.sem_alloc : memref<!tpu.dma_semaphore, #tpu.memory_space<semaphore_mem>>
      %dma_start3A_414 = arith.constant 0 : i32
      %dma_start3A_415 = tpu.memref_slice %arg4[%add3A_162, %dma_start3A_414] : memref<16384x1000xf32, #tpu.memory_space<hbm>> -> memref<32x1000xf32, #tpu.memory_space<hbm>>
      %dma_start3A_416 = arith.constant 0 : i32
      %dma_start3A_417 = tpu.memref_slice %arg4[%add3A_162, %dma_start3A_416] : memref<16384x1000xf32, #tpu.memory_space<hbm>> -> memref<32x1000xf32, #tpu.memory_space<hbm>>
      tpu.enqueue_dma source(%arg6 : memref<32x1000xf32, #tpu.memory_space<vmem>>) target(%dma_start3A_417 : memref<32x1000xf32, #tpu.memory_space<hbm>>) target_semaphore(%run_scoped3A : memref<!tpu.dma_semaphore, #tpu.memory_space<semaphore_mem>>)
      %dma_wait3A_418 = arith.constant 0 : i32
      %dma_wait3A_419 = tpu.memref_slice %arg4[%add3A_162, %dma_wait3A_418] : memref<16384x1000xf32, #tpu.memory_space<hbm>> -> memref<32x1000xf32, #tpu.memory_space<hbm>>
      %dma_wait3A_420 = arith.constant 0 : i32
      %dma_wait3A_421 = tpu.memref_slice %arg4[%add3A_162, %dma_wait3A_420] : memref<16384x1000xf32, #tpu.memory_space<hbm>> -> memref<32x1000xf32, #tpu.memory_space<hbm>>
      tpu.wait_dma2 semaphore(%run_scoped3A : memref<!tpu.dma_semaphore, #tpu.memory_space<semaphore_mem>>) src(%arg6 : memref<32x1000xf32, #tpu.memory_space<vmem>>) dst(%dma_wait3A_421 : memref<32x1000xf32, #tpu.memory_space<hbm>>)
      tpu.yield
    }) : () -> ()
    %get3A_163 = arith.constant 128 : index
    %get3A_164 = tpu.vector_load %arg5[%get3A_163] {strides = array<i32>} : memref<256xi32, #tpu.memory_space<vmem>>, vector<16xi32>,
    %add3A_165 = arith.constant 0 : i32
    %add3A_166 = vector.broadcast %add3A_165 : i32 to vector<16xi32>
    %add3A_167 = arith.addi %iota3A, %add3A_166 : vector<16xi32>
    tpu.vector_store_idx %arg6[%add3A_167, %get3A_164], %broadcast_in_dim3A_3 : memref<32x1000xf32, #tpu.memory_space<vmem>>[vector<16xi32>, vector<16xi32>], vector<16xf32>,
    %get3A_168 = arith.constant 144 : index
    %get3A_169 = tpu.vector_load %arg5[%get3A_168] {strides = array<i32>} : memref<256xi32, #tpu.memory_space<vmem>>, vector<16xi32>,
    %add3A_170 = arith.constant 16 : i32
    %add3A_171 = vector.broadcast %add3A_170 : i32 to vector<16xi32>
    %add3A_172 = arith.addi %iota3A, %add3A_171 : vector<16xi32>
    tpu.vector_store_idx %arg6[%add3A_172, %get3A_169], %broadcast_in_dim3A_3 : memref<32x1000xf32, #tpu.memory_space<vmem>>[vector<16xi32>, vector<16xi32>], vector<16xf32>,
    %get3A_173 = arith.constant 160 : index
    %get3A_174 = tpu.vector_load %arg5[%get3A_173] {strides = array<i32>} : memref<256xi32, #tpu.memory_space<vmem>>, vector<16xi32>,
    %add3A_175 = arith.constant 0 : i32
    %add3A_176 = vector.broadcast %add3A_175 : i32 to vector<16xi32>
    %add3A_177 = arith.addi %iota3A, %add3A_176 : vector<16xi32>
    tpu.vector_store_idx %arg6[%add3A_177, %get3A_174], %broadcast_in_dim3A_5 : memref<32x1000xf32, #tpu.memory_space<vmem>>[vector<16xi32>, vector<16xi32>], vector<16xf32>,
    %get3A_178 = arith.constant 176 : index
    %get3A_179 = tpu.vector_load %arg5[%get3A_178] {strides = array<i32>} : memref<256xi32, #tpu.memory_space<vmem>>, vector<16xi32>,
    %add3A_180 = arith.constant 16 : i32
    %add3A_181 = vector.broadcast %add3A_180 : i32 to vector<16xi32>
    %add3A_182 = arith.addi %iota3A, %add3A_181 : vector<16xi32>
    tpu.vector_store_idx %arg6[%add3A_182, %get3A_179], %broadcast_in_dim3A_5 : memref<32x1000xf32, #tpu.memory_space<vmem>>[vector<16xi32>, vector<16xi32>], vector<16xf32>,
    %add3A_183 = arith.constant 160 : i32
    %add3A_184 = arith.addi %mul3A_2, %add3A_183 : i32
    "tpu.region"() ({
      %run_scoped3A = tpu.sem_alloc : memref<!tpu.dma_semaphore, #tpu.memory_space<semaphore_mem>>
      %dma_start3A_414 = arith.constant 0 : i32
      %dma_start3A_415 = tpu.memref_slice %arg4[%add3A_184, %dma_start3A_414] : memref<16384x1000xf32, #tpu.memory_space<hbm>> -> memref<32x1000xf32, #tpu.memory_space<hbm>>
      %dma_start3A_416 = arith.constant 0 : i32
      %dma_start3A_417 = tpu.memref_slice %arg4[%add3A_184, %dma_start3A_416] : memref<16384x1000xf32, #tpu.memory_space<hbm>> -> memref<32x1000xf32, #tpu.memory_space<hbm>>
      tpu.enqueue_dma source(%arg6 : memref<32x1000xf32, #tpu.memory_space<vmem>>) target(%dma_start3A_417 : memref<32x1000xf32, #tpu.memory_space<hbm>>) target_semaphore(%run_scoped3A : memref<!tpu.dma_semaphore, #tpu.memory_space<semaphore_mem>>)
      %dma_wait3A_418 = arith.constant 0 : i32
      %dma_wait3A_419 = tpu.memref_slice %arg4[%add3A_184, %dma_wait3A_418] : memref<16384x1000xf32, #tpu.memory_space<hbm>> -> memref<32x1000xf32, #tpu.memory_space<hbm>>
      %dma_wait3A_420 = arith.constant 0 : i32
      %dma_wait3A_421 = tpu.memref_slice %arg4[%add3A_184, %dma_wait3A_420] : memref<16384x1000xf32, #tpu.memory_space<hbm>> -> memref<32x1000xf32, #tpu.memory_space<hbm>>
      tpu.wait_dma2 semaphore(%run_scoped3A : memref<!tpu.dma_semaphore, #tpu.memory_space<semaphore_mem>>) src(%arg6 : memref<32x1000xf32, #tpu.memory_space<vmem>>) dst(%dma_wait3A_421 : memref<32x1000xf32, #tpu.memory_space<hbm>>)
      tpu.yield
    }) : () -> ()
    %get3A_185 = arith.constant 160 : index
    %get3A_186 = tpu.vector_load %arg5[%get3A_185] {strides = array<i32>} : memref<256xi32, #tpu.memory_space<vmem>>, vector<16xi32>,
    %add3A_187 = arith.constant 0 : i32
    %add3A_188 = vector.broadcast %add3A_187 : i32 to vector<16xi32>
    %add3A_189 = arith.addi %iota3A, %add3A_188 : vector<16xi32>
    tpu.vector_store_idx %arg6[%add3A_189, %get3A_186], %broadcast_in_dim3A_3 : memref<32x1000xf32, #tpu.memory_space<vmem>>[vector<16xi32>, vector<16xi32>], vector<16xf32>,
    %get3A_190 = arith.constant 176 : index
    %get3A_191 = tpu.vector_load %arg5[%get3A_190] {strides = array<i32>} : memref<256xi32, #tpu.memory_space<vmem>>, vector<16xi32>,
    %add3A_192 = arith.constant 16 : i32
    %add3A_193 = vector.broadcast %add3A_192 : i32 to vector<16xi32>
    %add3A_194 = arith.addi %iota3A, %add3A_193 : vector<16xi32>
    tpu.vector_store_idx %arg6[%add3A_194, %get3A_191], %broadcast_in_dim3A_3 : memref<32x1000xf32, #tpu.memory_space<vmem>>[vector<16xi32>, vector<16xi32>], vector<16xf32>,
    %get3A_195 = arith.constant 192 : index
    %get3A_196 = tpu.vector_load %arg5[%get3A_195] {strides = array<i32>} : memref<256xi32, #tpu.memory_space<vmem>>, vector<16xi32>,
    %add3A_197 = arith.constant 0 : i32
    %add3A_198 = vector.broadcast %add3A_197 : i32 to vector<16xi32>
    %add3A_199 = arith.addi %iota3A, %add3A_198 : vector<16xi32>
    tpu.vector_store_idx %arg6[%add3A_199, %get3A_196], %broadcast_in_dim3A_5 : memref<32x1000xf32, #tpu.memory_space<vmem>>[vector<16xi32>, vector<16xi32>], vector<16xf32>,
    %get3A_200 = arith.constant 208 : index
    %get3A_201 = tpu.vector_load %arg5[%get3A_200] {strides = array<i32>} : memref<256xi32, #tpu.memory_space<vmem>>, vector<16xi32>,
    %add3A_202 = arith.constant 16 : i32
    %add3A_203 = vector.broadcast %add3A_202 : i32 to vector<16xi32>
    %add3A_204 = arith.addi %iota3A, %add3A_203 : vector<16xi32>
    tpu.vector_store_idx %arg6[%add3A_204, %get3A_201], %broadcast_in_dim3A_5 : memref<32x1000xf32, #tpu.memory_space<vmem>>[vector<16xi32>, vector<16xi32>], vector<16xf32>,
    %add3A_205 = arith.constant 192 : i32
    %add3A_206 = arith.addi %mul3A_2, %add3A_205 : i32
    "tpu.region"() ({
      %run_scoped3A = tpu.sem_alloc : memref<!tpu.dma_semaphore, #tpu.memory_space<semaphore_mem>>
      %dma_start3A_414 = arith.constant 0 : i32
      %dma_start3A_415 = tpu.memref_slice %arg4[%add3A_206, %dma_start3A_414] : memref<16384x1000xf32, #tpu.memory_space<hbm>> -> memref<32x1000xf32, #tpu.memory_space<hbm>>
      %dma_start3A_416 = arith.constant 0 : i32
      %dma_start3A_417 = tpu.memref_slice %arg4[%add3A_206, %dma_start3A_416] : memref<16384x1000xf32, #tpu.memory_space<hbm>> -> memref<32x1000xf32, #tpu.memory_space<hbm>>
      tpu.enqueue_dma source(%arg6 : memref<32x1000xf32, #tpu.memory_space<vmem>>) target(%dma_start3A_417 : memref<32x1000xf32, #tpu.memory_space<hbm>>) target_semaphore(%run_scoped3A : memref<!tpu.dma_semaphore, #tpu.memory_space<semaphore_mem>>)
      %dma_wait3A_418 = arith.constant 0 : i32
      %dma_wait3A_419 = tpu.memref_slice %arg4[%add3A_206, %dma_wait3A_418] : memref<16384x1000xf32, #tpu.memory_space<hbm>> -> memref<32x1000xf32, #tpu.memory_space<hbm>>
      %dma_wait3A_420 = arith.constant 0 : i32
      %dma_wait3A_421 = tpu.memref_slice %arg4[%add3A_206, %dma_wait3A_420] : memref<16384x1000xf32, #tpu.memory_space<hbm>> -> memref<32x1000xf32, #tpu.memory_space<hbm>>
      tpu.wait_dma2 semaphore(%run_scoped3A : memref<!tpu.dma_semaphore, #tpu.memory_space<semaphore_mem>>) src(%arg6 : memref<32x1000xf32, #tpu.memory_space<vmem>>) dst(%dma_wait3A_421 : memref<32x1000xf32, #tpu.memory_space<hbm>>)
      tpu.yield
    }) : () -> ()
    %get3A_207 = arith.constant 192 : index
    %get3A_208 = tpu.vector_load %arg5[%get3A_207] {strides = array<i32>} : memref<256xi32, #tpu.memory_space<vmem>>, vector<16xi32>,
    %add3A_209 = arith.constant 0 : i32
    %add3A_210 = vector.broadcast %add3A_209 : i32 to vector<16xi32>
    %add3A_211 = arith.addi %iota3A, %add3A_210 : vector<16xi32>
    tpu.vector_store_idx %arg6[%add3A_211, %get3A_208], %broadcast_in_dim3A_3 : memref<32x1000xf32, #tpu.memory_space<vmem>>[vector<16xi32>, vector<16xi32>], vector<16xf32>,
    %get3A_212 = arith.constant 208 : index
    %get3A_213 = tpu.vector_load %arg5[%get3A_212] {strides = array<i32>} : memref<256xi32, #tpu.memory_space<vmem>>, vector<16xi32>,
    %add3A_214 = arith.constant 16 : i32
    %add3A_215 = vector.broadcast %add3A_214 : i32 to vector<16xi32>
    %add3A_216 = arith.addi %iota3A, %add3A_215 : vector<16xi32>
    tpu.vector_store_idx %arg6[%add3A_216, %get3A_213], %broadcast_in_dim3A_3 : memref<32x1000xf32, #tpu.memory_space<vmem>>[vector<16xi32>, vector<16xi32>], vector<16xf32>,
    %get3A_217 = arith.constant 224 : index
    %get3A_218 = tpu.vector_load %arg5[%get3A_217] {strides = array<i32>} : memref<256xi32, #tpu.memory_space<vmem>>, vector<16xi32>,
    %add3A_219 = arith.constant 0 : i32
    %add3A_220 = vector.broadcast %add3A_219 : i32 to vector<16xi32>
    %add3A_221 = arith.addi %iota3A, %add3A_220 : vector<16xi32>
    tpu.vector_store_idx %arg6[%add3A_221, %get3A_218], %broadcast_in_dim3A_5 : memref<32x1000xf32, #tpu.memory_space<vmem>>[vector<16xi32>, vector<16xi32>], vector<16xf32>,
    %get3A_222 = arith.constant 240 : index
    %get3A_223 = tpu.vector_load %arg5[%get3A_222] {strides = array<i32>} : memref<256xi32, #tpu.memory_space<vmem>>, vector<16xi32>,
    %add3A_224 = arith.constant 16 : i32
    %add3A_225 = vector.broadcast %add3A_224 : i32 to vector<16xi32>
    %add3A_226 = arith.addi %iota3A, %add3A_225 : vector<16xi32>
    tpu.vector_store_idx %arg6[%add3A_226, %get3A_223], %broadcast_in_dim3A_5 : memref<32x1000xf32, #tpu.memory_space<vmem>>[vector<16xi32>, vector<16xi32>], vector<16xf32>,
    %add3A_227 = arith.constant 224 : i32
    %add3A_228 = arith.addi %mul3A_2, %add3A_227 : i32
    "tpu.region"() ({
      %run_scoped3A = tpu.sem_alloc : memref<!tpu.dma_semaphore, #tpu.memory_space<semaphore_mem>>
      %dma_start3A_414 = arith.constant 0 : i32
      %dma_start3A_415 = tpu.memref_slice %arg4[%add3A_228, %dma_start3A_414] : memref<16384x1000xf32, #tpu.memory_space<hbm>> -> memref<32x1000xf32, #tpu.memory_space<hbm>>
      %dma_start3A_416 = arith.constant 0 : i32
      %dma_start3A_417 = tpu.memref_slice %arg4[%add3A_228, %dma_start3A_416] : memref<16384x1000xf32, #tpu.memory_space<hbm>> -> memref<32x1000xf32, #tpu.memory_space<hbm>>
      tpu.enqueue_dma source(%arg6 : memref<32x1000xf32, #tpu.memory_space<vmem>>) target(%dma_start3A_417 : memref<32x1000xf32, #tpu.memory_space<hbm>>) target_semaphore(%run_scoped3A : memref<!tpu.dma_semaphore, #tpu.memory_space<semaphore_mem>>)
      %dma_wait3A_418 = arith.constant 0 : i32
      %dma_wait3A_419 = tpu.memref_slice %arg4[%add3A_228, %dma_wait3A_418] : memref<16384x1000xf32, #tpu.memory_space<hbm>> -> memref<32x1000xf32, #tpu.memory_space<hbm>>
      %dma_wait3A_420 = arith.constant 0 : i32
      %dma_wait3A_421 = tpu.memref_slice %arg4[%add3A_228, %dma_wait3A_420] : memref<16384x1000xf32, #tpu.memory_space<hbm>> -> memref<32x1000xf32, #tpu.memory_space<hbm>>
      tpu.wait_dma2 semaphore(%run_scoped3A : memref<!tpu.dma_semaphore, #tpu.memory_space<semaphore_mem>>) src(%arg6 : memref<32x1000xf32, #tpu.memory_space<vmem>>) dst(%dma_wait3A_421 : memref<32x1000xf32, #tpu.memory_space<hbm>>)
      tpu.yield
    }) : () -> ()
    %get3A_229 = arith.constant 224 : index
    %get3A_230 = tpu.vector_load %arg5[%get3A_229] {strides = array<i32>} : memref<256xi32, #tpu.memory_space<vmem>>, vector<16xi32>,
    %add3A_231 = arith.constant 0 : i32
    %add3A_232 = vector.broadcast %add3A_231 : i32 to vector<16xi32>
    %add3A_233 = arith.addi %iota3A, %add3A_232 : vector<16xi32>
    tpu.vector_store_idx %arg6[%add3A_233, %get3A_230], %broadcast_in_dim3A_3 : memref<32x1000xf32, #tpu.memory_space<vmem>>[vector<16xi32>, vector<16xi32>], vector<16xf32>,
    %get3A_234 = arith.constant 240 : index
    %get3A_235 = tpu.vector_load %arg5[%get3A_234] {strides = array<i32>} : memref<256xi32, #tpu.memory_space<vmem>>, vector<16xi32>,
    %add3A_236 = arith.constant 16 : i32
    %add3A_237 = vector.broadcast %add3A_236 : i32 to vector<16xi32>
    %add3A_238 = arith.addi %iota3A, %add3A_237 : vector<16xi32>
    tpu.vector_store_idx %arg6[%add3A_238, %get3A_235], %broadcast_in_dim3A_3 : memref<32x1000xf32, #tpu.memory_space<vmem>>[vector<16xi32>, vector<16xi32>], vector<16xf32>,
    %dma_wait3A = arith.constant 0 : i32
    %dma_wait3A_239 = tpu.memref_slice %arg2[%add3A_9, %dma_wait3A] : memref<16384x1000xf32, #tpu.memory_space<hbm>> -> memref<32x1000xf32, #tpu.memory_space<hbm>>
    %dma_wait3A_240 = arith.constant 0 : i32
    %dma_wait3A_241 = tpu.memref_slice %arg2[%add3A_9, %dma_wait3A_240] : memref<16384x1000xf32, #tpu.memory_space<hbm>> -> memref<32x1000xf32, #tpu.memory_space<hbm>>
    tpu.wait_dma2 semaphore(%arg9 : memref<!tpu.dma_semaphore, #tpu.memory_space<semaphore_mem>>) src(%dma_wait3A_241 : memref<32x1000xf32, #tpu.memory_space<hbm>>) dst(%arg7 : memref<32x1000xf32, #tpu.memory_space<vmem>>)
    %add3A_242 = arith.constant 8192 : i32
    %add3A_243 = arith.addi %add3A_242, %mul3A_2 : i32
    %add3A_244 = arith.constant 0 : i32
    %add3A_245 = arith.addi %add3A_243, %add3A_244 : i32
    %dma_start3A_246 = arith.constant 0 : i32
    %dma_start3A_247 = tpu.memref_slice %arg4[%add3A_245, %dma_start3A_246] : memref<16384x1000xf32, #tpu.memory_space<hbm>> -> memref<32x1000xf32, #tpu.memory_space<hbm>>
    %dma_start3A_248 = arith.constant 0 : i32
    %dma_start3A_249 = tpu.memref_slice %arg4[%add3A_245, %dma_start3A_248] : memref<16384x1000xf32, #tpu.memory_space<hbm>> -> memref<32x1000xf32, #tpu.memory_space<hbm>>
    tpu.enqueue_dma source(%arg7 : memref<32x1000xf32, #tpu.memory_space<vmem>>) target(%dma_start3A_249 : memref<32x1000xf32, #tpu.memory_space<hbm>>) target_semaphore(%arg11 : memref<!tpu.dma_semaphore, #tpu.memory_space<semaphore_mem>>)
    %dma_wait3A_250 = arith.constant 0 : i32
    %dma_wait3A_251 = tpu.memref_slice %arg4[%add3A_245, %dma_wait3A_250] : memref<16384x1000xf32, #tpu.memory_space<hbm>> -> memref<32x1000xf32, #tpu.memory_space<hbm>>
    %dma_wait3A_252 = arith.constant 0 : i32
    %dma_wait3A_253 = tpu.memref_slice %arg4[%add3A_245, %dma_wait3A_252] : memref<16384x1000xf32, #tpu.memory_space<hbm>> -> memref<32x1000xf32, #tpu.memory_space<hbm>>
    tpu.wait_dma2 semaphore(%arg11 : memref<!tpu.dma_semaphore, #tpu.memory_space<semaphore_mem>>) src(%arg7 : memref<32x1000xf32, #tpu.memory_space<vmem>>) dst(%dma_wait3A_253 : memref<32x1000xf32, #tpu.memory_space<hbm>>)
    %add3A_254 = arith.constant 8192 : i32
    %add3A_255 = arith.addi %add3A_254, %mul3A_2 : i32
    %add3A_256 = arith.constant 64 : i32
    %add3A_257 = arith.addi %add3A_255, %add3A_256 : i32
    %dma_start3A_258 = arith.constant 0 : i32
    %dma_start3A_259 = tpu.memref_slice %arg2[%add3A_257, %dma_start3A_258] : memref<16384x1000xf32, #tpu.memory_space<hbm>> -> memref<32x1000xf32, #tpu.memory_space<hbm>>
    %dma_start3A_260 = arith.constant 0 : i32
    %dma_start3A_261 = tpu.memref_slice %arg2[%add3A_257, %dma_start3A_260] : memref<16384x1000xf32, #tpu.memory_space<hbm>> -> memref<32x1000xf32, #tpu.memory_space<hbm>>
    tpu.enqueue_dma source(%dma_start3A_261 : memref<32x1000xf32, #tpu.memory_space<hbm>>) target(%arg7 : memref<32x1000xf32, #tpu.memory_space<vmem>>) target_semaphore(%arg9 : memref<!tpu.dma_semaphore, #tpu.memory_space<semaphore_mem>>)
    %dma_wait3A_262 = arith.constant 0 : i32
    %dma_wait3A_263 = tpu.memref_slice %arg2[%add3A_16, %dma_wait3A_262] : memref<16384x1000xf32, #tpu.memory_space<hbm>> -> memref<32x1000xf32, #tpu.memory_space<hbm>>
    %dma_wait3A_264 = arith.constant 0 : i32
    %dma_wait3A_265 = tpu.memref_slice %arg2[%add3A_16, %dma_wait3A_264] : memref<16384x1000xf32, #tpu.memory_space<hbm>> -> memref<32x1000xf32, #tpu.memory_space<hbm>>
    tpu.wait_dma2 semaphore(%arg10 : memref<!tpu.dma_semaphore, #tpu.memory_space<semaphore_mem>>) src(%dma_wait3A_265 : memref<32x1000xf32, #tpu.memory_space<hbm>>) dst(%arg8 : memref<32x1000xf32, #tpu.memory_space<vmem>>)
    %add3A_266 = arith.constant 8192 : i32
    %add3A_267 = arith.addi %add3A_266, %mul3A_2 : i32
    %add3A_268 = arith.constant 32 : i32
    %add3A_269 = arith.addi %add3A_267, %add3A_268 : i32
    %dma_start3A_270 = arith.constant 0 : i32
    %dma_start3A_271 = tpu.memref_slice %arg4[%add3A_269, %dma_start3A_270] : memref<16384x1000xf32, #tpu.memory_space<hbm>> -> memref<32x1000xf32, #tpu.memory_space<hbm>>
    %dma_start3A_272 = arith.constant 0 : i32
    %dma_start3A_273 = tpu.memref_slice %arg4[%add3A_269, %dma_start3A_272] : memref<16384x1000xf32, #tpu.memory_space<hbm>> -> memref<32x1000xf32, #tpu.memory_space<hbm>>
    tpu.enqueue_dma source(%arg8 : memref<32x1000xf32, #tpu.memory_space<vmem>>) target(%dma_start3A_273 : memref<32x1000xf32, #tpu.memory_space<hbm>>) target_semaphore(%arg12 : memref<!tpu.dma_semaphore, #tpu.memory_space<semaphore_mem>>)
    %dma_wait3A_274 = arith.constant 0 : i32
    %dma_wait3A_275 = tpu.memref_slice %arg4[%add3A_269, %dma_wait3A_274] : memref<16384x1000xf32, #tpu.memory_space<hbm>> -> memref<32x1000xf32, #tpu.memory_space<hbm>>
    %dma_wait3A_276 = arith.constant 0 : i32
    %dma_wait3A_277 = tpu.memref_slice %arg4[%add3A_269, %dma_wait3A_276] : memref<16384x1000xf32, #tpu.memory_space<hbm>> -> memref<32x1000xf32, #tpu.memory_space<hbm>>
    tpu.wait_dma2 semaphore(%arg12 : memref<!tpu.dma_semaphore, #tpu.memory_space<semaphore_mem>>) src(%arg8 : memref<32x1000xf32, #tpu.memory_space<vmem>>) dst(%dma_wait3A_277 : memref<32x1000xf32, #tpu.memory_space<hbm>>)
    %add3A_278 = arith.constant 8192 : i32
    %add3A_279 = arith.addi %add3A_278, %mul3A_2 : i32
    %add3A_280 = arith.constant 96 : i32
    %add3A_281 = arith.addi %add3A_279, %add3A_280 : i32
    %dma_start3A_282 = arith.constant 0 : i32
    %dma_start3A_283 = tpu.memref_slice %arg2[%add3A_281, %dma_start3A_282] : memref<16384x1000xf32, #tpu.memory_space<hbm>> -> memref<32x1000xf32, #tpu.memory_space<hbm>>
    %dma_start3A_284 = arith.constant 0 : i32
    %dma_start3A_285 = tpu.memref_slice %arg2[%add3A_281, %dma_start3A_284] : memref<16384x1000xf32, #tpu.memory_space<hbm>> -> memref<32x1000xf32, #tpu.memory_space<hbm>>
    tpu.enqueue_dma source(%dma_start3A_285 : memref<32x1000xf32, #tpu.memory_space<hbm>>) target(%arg8 : memref<32x1000xf32, #tpu.memory_space<vmem>>) target_semaphore(%arg10 : memref<!tpu.dma_semaphore, #tpu.memory_space<semaphore_mem>>)
    %dma_wait3A_286 = arith.constant 0 : i32
    %dma_wait3A_287 = tpu.memref_slice %arg2[%add3A_257, %dma_wait3A_286] : memref<16384x1000xf32, #tpu.memory_space<hbm>> -> memref<32x1000xf32, #tpu.memory_space<hbm>>
    %dma_wait3A_288 = arith.constant 0 : i32
    %dma_wait3A_289 = tpu.memref_slice %arg2[%add3A_257, %dma_wait3A_288] : memref<16384x1000xf32, #tpu.memory_space<hbm>> -> memref<32x1000xf32, #tpu.memory_space<hbm>>
    tpu.wait_dma2 semaphore(%arg9 : memref<!tpu.dma_semaphore, #tpu.memory_space<semaphore_mem>>) src(%dma_wait3A_289 : memref<32x1000xf32, #tpu.memory_space<hbm>>) dst(%arg7 : memref<32x1000xf32, #tpu.memory_space<vmem>>)
    %add3A_290 = arith.constant 8192 : i32
    %add3A_291 = arith.addi %add3A_290, %mul3A_2 : i32
    %add3A_292 = arith.constant 64 : i32
    %add3A_293 = arith.addi %add3A_291, %add3A_292 : i32
    %dma_start3A_294 = arith.constant 0 : i32
    %dma_start3A_295 = tpu.memref_slice %arg4[%add3A_293, %dma_start3A_294] : memref<16384x1000xf32, #tpu.memory_space<hbm>> -> memref<32x1000xf32, #tpu.memory_space<hbm>>
    %dma_start3A_296 = arith.constant 0 : i32
    %dma_start3A_297 = tpu.memref_slice %arg4[%add3A_293, %dma_start3A_296] : memref<16384x1000xf32, #tpu.memory_space<hbm>> -> memref<32x1000xf32, #tpu.memory_space<hbm>>
    tpu.enqueue_dma source(%arg7 : memref<32x1000xf32, #tpu.memory_space<vmem>>) target(%dma_start3A_297 : memref<32x1000xf32, #tpu.memory_space<hbm>>) target_semaphore(%arg11 : memref<!tpu.dma_semaphore, #tpu.memory_space<semaphore_mem>>)
    %dma_wait3A_298 = arith.constant 0 : i32
    %dma_wait3A_299 = tpu.memref_slice %arg4[%add3A_293, %dma_wait3A_298] : memref<16384x1000xf32, #tpu.memory_space<hbm>> -> memref<32x1000xf32, #tpu.memory_space<hbm>>
    %dma_wait3A_300 = arith.constant 0 : i32
    %dma_wait3A_301 = tpu.memref_slice %arg4[%add3A_293, %dma_wait3A_300] : memref<16384x1000xf32, #tpu.memory_space<hbm>> -> memref<32x1000xf32, #tpu.memory_space<hbm>>
    tpu.wait_dma2 semaphore(%arg11 : memref<!tpu.dma_semaphore, #tpu.memory_space<semaphore_mem>>) src(%arg7 : memref<32x1000xf32, #tpu.memory_space<vmem>>) dst(%dma_wait3A_301 : memref<32x1000xf32, #tpu.memory_space<hbm>>)
    %add3A_302 = arith.constant 8192 : i32
    %add3A_303 = arith.addi %add3A_302, %mul3A_2 : i32
    %add3A_304 = arith.constant 128 : i32
    %add3A_305 = arith.addi %add3A_303, %add3A_304 : i32
    %dma_start3A_306 = arith.constant 0 : i32
    %dma_start3A_307 = tpu.memref_slice %arg2[%add3A_305, %dma_start3A_306] : memref<16384x1000xf32, #tpu.memory_space<hbm>> -> memref<32x1000xf32, #tpu.memory_space<hbm>>
    %dma_start3A_308 = arith.constant 0 : i32
    %dma_start3A_309 = tpu.memref_slice %arg2[%add3A_305, %dma_start3A_308] : memref<16384x1000xf32, #tpu.memory_space<hbm>> -> memref<32x1000xf32, #tpu.memory_space<hbm>>
    tpu.enqueue_dma source(%dma_start3A_309 : memref<32x1000xf32, #tpu.memory_space<hbm>>) target(%arg7 : memref<32x1000xf32, #tpu.memory_space<vmem>>) target_semaphore(%arg9 : memref<!tpu.dma_semaphore, #tpu.memory_space<semaphore_mem>>)
    %dma_wait3A_310 = arith.constant 0 : i32
    %dma_wait3A_311 = tpu.memref_slice %arg2[%add3A_281, %dma_wait3A_310] : memref<16384x1000xf32, #tpu.memory_space<hbm>> -> memref<32x1000xf32, #tpu.memory_space<hbm>>
    %dma_wait3A_312 = arith.constant 0 : i32
    %dma_wait3A_313 = tpu.memref_slice %arg2[%add3A_281, %dma_wait3A_312] : memref<16384x1000xf32, #tpu.memory_space<hbm>> -> memref<32x1000xf32, #tpu.memory_space<hbm>>
    tpu.wait_dma2 semaphore(%arg10 : memref<!tpu.dma_semaphore, #tpu.memory_space<semaphore_mem>>) src(%dma_wait3A_313 : memref<32x1000xf32, #tpu.memory_space<hbm>>) dst(%arg8 : memref<32x1000xf32, #tpu.memory_space<vmem>>)
    %add3A_314 = arith.constant 8192 : i32
    %add3A_315 = arith.addi %add3A_314, %mul3A_2 : i32
    %add3A_316 = arith.constant 96 : i32
    %add3A_317 = arith.addi %add3A_315, %add3A_316 : i32
    %dma_start3A_318 = arith.constant 0 : i32
    %dma_start3A_319 = tpu.memref_slice %arg4[%add3A_317, %dma_start3A_318] : memref<16384x1000xf32, #tpu.memory_space<hbm>> -> memref<32x1000xf32, #tpu.memory_space<hbm>>
    %dma_start3A_320 = arith.constant 0 : i32
    %dma_start3A_321 = tpu.memref_slice %arg4[%add3A_317, %dma_start3A_320] : memref<16384x1000xf32, #tpu.memory_space<hbm>> -> memref<32x1000xf32, #tpu.memory_space<hbm>>
    tpu.enqueue_dma source(%arg8 : memref<32x1000xf32, #tpu.memory_space<vmem>>) target(%dma_start3A_321 : memref<32x1000xf32, #tpu.memory_space<hbm>>) target_semaphore(%arg12 : memref<!tpu.dma_semaphore, #tpu.memory_space<semaphore_mem>>)
    %dma_wait3A_322 = arith.constant 0 : i32
    %dma_wait3A_323 = tpu.memref_slice %arg4[%add3A_317, %dma_wait3A_322] : memref<16384x1000xf32, #tpu.memory_space<hbm>> -> memref<32x1000xf32, #tpu.memory_space<hbm>>
    %dma_wait3A_324 = arith.constant 0 : i32
    %dma_wait3A_325 = tpu.memref_slice %arg4[%add3A_317, %dma_wait3A_324] : memref<16384x1000xf32, #tpu.memory_space<hbm>> -> memref<32x1000xf32, #tpu.memory_space<hbm>>
    tpu.wait_dma2 semaphore(%arg12 : memref<!tpu.dma_semaphore, #tpu.memory_space<semaphore_mem>>) src(%arg8 : memref<32x1000xf32, #tpu.memory_space<vmem>>) dst(%dma_wait3A_325 : memref<32x1000xf32, #tpu.memory_space<hbm>>)
    %add3A_326 = arith.constant 8192 : i32
    %add3A_327 = arith.addi %add3A_326, %mul3A_2 : i32
    %add3A_328 = arith.constant 160 : i32
    %add3A_329 = arith.addi %add3A_327, %add3A_328 : i32
    %dma_start3A_330 = arith.constant 0 : i32
    %dma_start3A_331 = tpu.memref_slice %arg2[%add3A_329, %dma_start3A_330] : memref<16384x1000xf32, #tpu.memory_space<hbm>> -> memref<32x1000xf32, #tpu.memory_space<hbm>>
    %dma_start3A_332 = arith.constant 0 : i32
    %dma_start3A_333 = tpu.memref_slice %arg2[%add3A_329, %dma_start3A_332] : memref<16384x1000xf32, #tpu.memory_space<hbm>> -> memref<32x1000xf32, #tpu.memory_space<hbm>>
    tpu.enqueue_dma source(%dma_start3A_333 : memref<32x1000xf32, #tpu.memory_space<hbm>>) target(%arg8 : memref<32x1000xf32, #tpu.memory_space<vmem>>) target_semaphore(%arg10 : memref<!tpu.dma_semaphore, #tpu.memory_space<semaphore_mem>>)
    %dma_wait3A_334 = arith.constant 0 : i32
    %dma_wait3A_335 = tpu.memref_slice %arg2[%add3A_305, %dma_wait3A_334] : memref<16384x1000xf32, #tpu.memory_space<hbm>> -> memref<32x1000xf32, #tpu.memory_space<hbm>>
    %dma_wait3A_336 = arith.constant 0 : i32
    %dma_wait3A_337 = tpu.memref_slice %arg2[%add3A_305, %dma_wait3A_336] : memref<16384x1000xf32, #tpu.memory_space<hbm>> -> memref<32x1000xf32, #tpu.memory_space<hbm>>
    tpu.wait_dma2 semaphore(%arg9 : memref<!tpu.dma_semaphore, #tpu.memory_space<semaphore_mem>>) src(%dma_wait3A_337 : memref<32x1000xf32, #tpu.memory_space<hbm>>) dst(%arg7 : memref<32x1000xf32, #tpu.memory_space<vmem>>)
    %add3A_338 = arith.constant 8192 : i32
    %add3A_339 = arith.addi %add3A_338, %mul3A_2 : i32
    %add3A_340 = arith.constant 128 : i32
    %add3A_341 = arith.addi %add3A_339, %add3A_340 : i32
    %dma_start3A_342 = arith.constant 0 : i32
    %dma_start3A_343 = tpu.memref_slice %arg4[%add3A_341, %dma_start3A_342] : memref<16384x1000xf32, #tpu.memory_space<hbm>> -> memref<32x1000xf32, #tpu.memory_space<hbm>>
    %dma_start3A_344 = arith.constant 0 : i32
    %dma_start3A_345 = tpu.memref_slice %arg4[%add3A_341, %dma_start3A_344] : memref<16384x1000xf32, #tpu.memory_space<hbm>> -> memref<32x1000xf32, #tpu.memory_space<hbm>>
    tpu.enqueue_dma source(%arg7 : memref<32x1000xf32, #tpu.memory_space<vmem>>) target(%dma_start3A_345 : memref<32x1000xf32, #tpu.memory_space<hbm>>) target_semaphore(%arg11 : memref<!tpu.dma_semaphore, #tpu.memory_space<semaphore_mem>>)
    %dma_wait3A_346 = arith.constant 0 : i32
    %dma_wait3A_347 = tpu.memref_slice %arg4[%add3A_341, %dma_wait3A_346] : memref<16384x1000xf32, #tpu.memory_space<hbm>> -> memref<32x1000xf32, #tpu.memory_space<hbm>>
    %dma_wait3A_348 = arith.constant 0 : i32
    %dma_wait3A_349 = tpu.memref_slice %arg4[%add3A_341, %dma_wait3A_348] : memref<16384x1000xf32, #tpu.memory_space<hbm>> -> memref<32x1000xf32, #tpu.memory_space<hbm>>
    tpu.wait_dma2 semaphore(%arg11 : memref<!tpu.dma_semaphore, #tpu.memory_space<semaphore_mem>>) src(%arg7 : memref<32x1000xf32, #tpu.memory_space<vmem>>) dst(%dma_wait3A_349 : memref<32x1000xf32, #tpu.memory_space<hbm>>)
    %add3A_350 = arith.constant 8192 : i32
    %add3A_351 = arith.addi %add3A_350, %mul3A_2 : i32
    %add3A_352 = arith.constant 192 : i32
    %add3A_353 = arith.addi %add3A_351, %add3A_352 : i32
    %dma_start3A_354 = arith.constant 0 : i32
    %dma_start3A_355 = tpu.memref_slice %arg2[%add3A_353, %dma_start3A_354] : memref<16384x1000xf32, #tpu.memory_space<hbm>> -> memref<32x1000xf32, #tpu.memory_space<hbm>>
    %dma_start3A_356 = arith.constant 0 : i32
    %dma_start3A_357 = tpu.memref_slice %arg2[%add3A_353, %dma_start3A_356] : memref<16384x1000xf32, #tpu.memory_space<hbm>> -> memref<32x1000xf32, #tpu.memory_space<hbm>>
    tpu.enqueue_dma source(%dma_start3A_357 : memref<32x1000xf32, #tpu.memory_space<hbm>>) target(%arg7 : memref<32x1000xf32, #tpu.memory_space<vmem>>) target_semaphore(%arg9 : memref<!tpu.dma_semaphore, #tpu.memory_space<semaphore_mem>>)
    %dma_wait3A_358 = arith.constant 0 : i32
    %dma_wait3A_359 = tpu.memref_slice %arg2[%add3A_329, %dma_wait3A_358] : memref<16384x1000xf32, #tpu.memory_space<hbm>> -> memref<32x1000xf32, #tpu.memory_space<hbm>>
    %dma_wait3A_360 = arith.constant 0 : i32
    %dma_wait3A_361 = tpu.memref_slice %arg2[%add3A_329, %dma_wait3A_360] : memref<16384x1000xf32, #tpu.memory_space<hbm>> -> memref<32x1000xf32, #tpu.memory_space<hbm>>
    tpu.wait_dma2 semaphore(%arg10 : memref<!tpu.dma_semaphore, #tpu.memory_space<semaphore_mem>>) src(%dma_wait3A_361 : memref<32x1000xf32, #tpu.memory_space<hbm>>) dst(%arg8 : memref<32x1000xf32, #tpu.memory_space<vmem>>)
    %add3A_362 = arith.constant 8192 : i32
    %add3A_363 = arith.addi %add3A_362, %mul3A_2 : i32
    %add3A_364 = arith.constant 160 : i32
    %add3A_365 = arith.addi %add3A_363, %add3A_364 : i32
    %dma_start3A_366 = arith.constant 0 : i32
    %dma_start3A_367 = tpu.memref_slice %arg4[%add3A_365, %dma_start3A_366] : memref<16384x1000xf32, #tpu.memory_space<hbm>> -> memref<32x1000xf32, #tpu.memory_space<hbm>>
    %dma_start3A_368 = arith.constant 0 : i32
    %dma_start3A_369 = tpu.memref_slice %arg4[%add3A_365, %dma_start3A_368] : memref<16384x1000xf32, #tpu.memory_space<hbm>> -> memref<32x1000xf32, #tpu.memory_space<hbm>>
    tpu.enqueue_dma source(%arg8 : memref<32x1000xf32, #tpu.memory_space<vmem>>) target(%dma_start3A_369 : memref<32x1000xf32, #tpu.memory_space<hbm>>) target_semaphore(%arg12 : memref<!tpu.dma_semaphore, #tpu.memory_space<semaphore_mem>>)
    %dma_wait3A_370 = arith.constant 0 : i32
    %dma_wait3A_371 = tpu.memref_slice %arg4[%add3A_365, %dma_wait3A_370] : memref<16384x1000xf32, #tpu.memory_space<hbm>> -> memref<32x1000xf32, #tpu.memory_space<hbm>>
    %dma_wait3A_372 = arith.constant 0 : i32
    %dma_wait3A_373 = tpu.memref_slice %arg4[%add3A_365, %dma_wait3A_372] : memref<16384x1000xf32, #tpu.memory_space<hbm>> -> memref<32x1000xf32, #tpu.memory_space<hbm>>
    tpu.wait_dma2 semaphore(%arg12 : memref<!tpu.dma_semaphore, #tpu.memory_space<semaphore_mem>>) src(%arg8 : memref<32x1000xf32, #tpu.memory_space<vmem>>) dst(%dma_wait3A_373 : memref<32x1000xf32, #tpu.memory_space<hbm>>)
    %add3A_374 = arith.constant 8192 : i32
    %add3A_375 = arith.addi %add3A_374, %mul3A_2 : i32
    %add3A_376 = arith.constant 224 : i32
    %add3A_377 = arith.addi %add3A_375, %add3A_376 : i32
    %dma_start3A_378 = arith.constant 0 : i32
    %dma_start3A_379 = tpu.memref_slice %arg2[%add3A_377, %dma_start3A_378] : memref<16384x1000xf32, #tpu.memory_space<hbm>> -> memref<32x1000xf32, #tpu.memory_space<hbm>>
    %dma_start3A_380 = arith.constant 0 : i32
    %dma_start3A_381 = tpu.memref_slice %arg2[%add3A_377, %dma_start3A_380] : memref<16384x1000xf32, #tpu.memory_space<hbm>> -> memref<32x1000xf32, #tpu.memory_space<hbm>>
    tpu.enqueue_dma source(%dma_start3A_381 : memref<32x1000xf32, #tpu.memory_space<hbm>>) target(%arg8 : memref<32x1000xf32, #tpu.memory_space<vmem>>) target_semaphore(%arg10 : memref<!tpu.dma_semaphore, #tpu.memory_space<semaphore_mem>>)
    %dma_wait3A_382 = arith.constant 0 : i32
    %dma_wait3A_383 = tpu.memref_slice %arg2[%add3A_353, %dma_wait3A_382] : memref<16384x1000xf32, #tpu.memory_space<hbm>> -> memref<32x1000xf32, #tpu.memory_space<hbm>>
    %dma_wait3A_384 = arith.constant 0 : i32
    %dma_wait3A_385 = tpu.memref_slice %arg2[%add3A_353, %dma_wait3A_384] : memref<16384x1000xf32, #tpu.memory_space<hbm>> -> memref<32x1000xf32, #tpu.memory_space<hbm>>
    tpu.wait_dma2 semaphore(%arg9 : memref<!tpu.dma_semaphore, #tpu.memory_space<semaphore_mem>>) src(%dma_wait3A_385 : memref<32x1000xf32, #tpu.memory_space<hbm>>) dst(%arg7 : memref<32x1000xf32, #tpu.memory_space<vmem>>)
    %add3A_386 = arith.constant 8192 : i32
    %add3A_387 = arith.addi %add3A_386, %mul3A_2 : i32
    %add3A_388 = arith.constant 192 : i32
    %add3A_389 = arith.addi %add3A_387, %add3A_388 : i32
    %dma_start3A_390 = arith.constant 0 : i32
    %dma_start3A_391 = tpu.memref_slice %arg4[%add3A_389, %dma_start3A_390] : memref<16384x1000xf32, #tpu.memory_space<hbm>> -> memref<32x1000xf32, #tpu.memory_space<hbm>>
    %dma_start3A_392 = arith.constant 0 : i32
    %dma_start3A_393 = tpu.memref_slice %arg4[%add3A_389, %dma_start3A_392] : memref<16384x1000xf32, #tpu.memory_space<hbm>> -> memref<32x1000xf32, #tpu.memory_space<hbm>>
    tpu.enqueue_dma source(%arg7 : memref<32x1000xf32, #tpu.memory_space<vmem>>) target(%dma_start3A_393 : memref<32x1000xf32, #tpu.memory_space<hbm>>) target_semaphore(%arg11 : memref<!tpu.dma_semaphore, #tpu.memory_space<semaphore_mem>>)
    %dma_wait3A_394 = arith.constant 0 : i32
    %dma_wait3A_395 = tpu.memref_slice %arg2[%add3A_377, %dma_wait3A_394] : memref<16384x1000xf32, #tpu.memory_space<hbm>> -> memref<32x1000xf32, #tpu.memory_space<hbm>>
    %dma_wait3A_396 = arith.constant 0 : i32
    %dma_wait3A_397 = tpu.memref_slice %arg2[%add3A_377, %dma_wait3A_396] : memref<16384x1000xf32, #tpu.memory_space<hbm>> -> memref<32x1000xf32, #tpu.memory_space<hbm>>
    tpu.wait_dma2 semaphore(%arg10 : memref<!tpu.dma_semaphore, #tpu.memory_space<semaphore_mem>>) src(%dma_wait3A_397 : memref<32x1000xf32, #tpu.memory_space<hbm>>) dst(%arg8 : memref<32x1000xf32, #tpu.memory_space<vmem>>)
    %add3A_398 = arith.constant 8192 : i32
    %add3A_399 = arith.addi %add3A_398, %mul3A_2 : i32
    %add3A_400 = arith.constant 224 : i32
    %add3A_401 = arith.addi %add3A_399, %add3A_400 : i32
    %dma_start3A_402 = arith.constant 0 : i32
    %dma_start3A_403 = tpu.memref_slice %arg4[%add3A_401, %dma_start3A_402] : memref<16384x1000xf32, #tpu.memory_space<hbm>> -> memref<32x1000xf32, #tpu.memory_space<hbm>>
    %dma_start3A_404 = arith.constant 0 : i32
    %dma_start3A_405 = tpu.memref_slice %arg4[%add3A_401, %dma_start3A_404] : memref<16384x1000xf32, #tpu.memory_space<hbm>> -> memref<32x1000xf32, #tpu.memory_space<hbm>>
    tpu.enqueue_dma source(%arg8 : memref<32x1000xf32, #tpu.memory_space<vmem>>) target(%dma_start3A_405 : memref<32x1000xf32, #tpu.memory_space<hbm>>) target_semaphore(%arg12 : memref<!tpu.dma_semaphore, #tpu.memory_space<semaphore_mem>>)
    %dma_wait3A_406 = arith.constant 0 : i32
    %dma_wait3A_407 = tpu.memref_slice %arg4[%add3A_389, %dma_wait3A_406] : memref<16384x1000xf32, #tpu.memory_space<hbm>> -> memref<32x1000xf32, #tpu.memory_space<hbm>>
    %dma_wait3A_408 = arith.constant 0 : i32
    %dma_wait3A_409 = tpu.memref_slice %arg4[%add3A_389, %dma_wait3A_408] : memref<16384x1000xf32, #tpu.memory_space<hbm>> -> memref<32x1000xf32, #tpu.memory_space<hbm>>
    tpu.wait_dma2 semaphore(%arg11 : memref<!tpu.dma_semaphore, #tpu.memory_space<semaphore_mem>>) src(%arg7 : memref<32x1000xf32, #tpu.memory_space<vmem>>) dst(%dma_wait3A_409 : memref<32x1000xf32, #tpu.memory_space<hbm>>)
    %dma_wait3A_410 = arith.constant 0 : i32
    %dma_wait3A_411 = tpu.memref_slice %arg4[%add3A_401, %dma_wait3A_410] : memref<16384x1000xf32, #tpu.memory_space<hbm>> -> memref<32x1000xf32, #tpu.memory_space<hbm>>
    %dma_wait3A_412 = arith.constant 0 : i32
    %dma_wait3A_413 = tpu.memref_slice %arg4[%add3A_401, %dma_wait3A_412] : memref<16384x1000xf32, #tpu.memory_space<hbm>> -> memref<32x1000xf32, #tpu.memory_space<hbm>>
    tpu.wait_dma2 semaphore(%arg12 : memref<!tpu.dma_semaphore, #tpu.memory_space<semaphore_mem>>) src(%arg8 : memref<32x1000xf32, #tpu.memory_space<vmem>>) dst(%dma_wait3A_413 : memref<32x1000xf32, #tpu.memory_space<hbm>>)
    return
  }
}

</mosaic_0001>

<sc_bundles>
// kernel: kernel.3.cloned.1.call-start
scs
__scs_entry_jumppad:
0x0: {  	(pc) =	sbr.rel $0x88, $3  }
0x1: {  	(tag) =	ssettag $0x0;
	lr =	simm.s32 $0x1  }
0x2: {  	[smem:$0x3F9F] =	sst lr;
	_ =	strace $0xD0000000  }
0x3: {  	_ = 	snop  }
0x4: {  	_ = 	snop  }
0x5: {  	_ = 	snop  }
0x6: {  	_ = 	snop  }
0x7: {  	_ = 	snop  }
__scs_overlays_trampoline_lowered:
0x8: {  	[smem:$0x3FAE] =	sst s0  }
0x9: {  	[smem:$0x3FAF] =	sst s1  }
0xa: {  	[smem:$0x3FB0] =	sst s2  }
0xb: {  	[smem:$0x3FB1] =	sst s3  }
0xc: {  	[smem:$0x3FB2] =	sst s4  }
0xd: {  	[smem:$0x3FB3] =	sst s5  }
0xe: {  	[smem:$0x3FB4] =	sst s6  }
0xf: {  	[smem:$0x3FB5] =	sst s7  }
0x10: {  	[smem:$0x3FB6] =	sst s8  }
0x11: {  	[smem:$0x3FB7] =	sst s9;
	s0 =	simm.s32 @!p0 $0x0  }
0x12: {  	s1 =	sld [smem:$0x3F9D];
	s0 =	simm.s32 @p0 $0x1  }
0x13: {  	[smem:$0x3FB8] =	sst s0;
	s0 =	simm.s32 @!p1 $0x0  }
0x14: {  	s2 =	sld [smem:$0x3F9C];
	s0 =	simm.s32 @p1 $0x1  }
0x15: {  	[smem:$0x3FB9] =	sst s0;
	s0 =	simm.s32 @!p2 $0x0  }
0x16: {  	s3 =	sld [smem:$0x3FDB];
	s0 =	simm.s32 @p2 $0x1  }
0x17: {  	s4 =	simm.s32 $0x1BF5;
	[smem:$0x3FBB] =	sst s0  }
0x18: {  	s0 =	sld [smem:$0x3F9E];
	_ =	swait.ge [sflag:s4], $0x0  }
0x19: {  	s7 =	sld [smem:$0x3F9F]  }
0x1a: {  	s8 =	sadd.s32 $0xFFFFE003, lr  }
0x1b: {  	s9 =	sadd.s32 $0xFFFFFEF7, lr;
	s5 =	simm.s32 $0xFFFFFFFF;
	p2 =	slt.u32 s8, $0xFFFFF086  }
0x1c: {  	p1 =	slt.u32 s9, $0xF7A;
	s5 =	simm.s32 @!p2 $0x0  }
0x1d: {  	s5 =	simm.s32 @p1 $0x1;
	p0 =	seq.s32 s7, s2  }
0x1e: {  	s7 =	smul.u32 @!p0 $0xF7A, s2;
	p2 =	seq.s32 @!p0 s5, $0x0  }
0x1f: {  	s9 =	smul.u32 $0xF7A, s1;
	s8 =	simm.s32 @!p0 $0x1BF5;
	p2 =	por !p2, p0  }
0x20: {  	[sflag:s8] =	ssyncset.s32 @!p0 $0xFFFFF086;
	s6 =	sadd.s32 @!p0 s3, s7;
	s7 =	simm.s32 @!p0 $0x108  }
0x21: {  	s3 =	sadd.s32 s3, s9;
	s6 =	sadd.s32 @!p0 $0x88, s6;
	s7 =	simm.s32 @p2 $0x1082  }
0x22: {  	[simem:s7], [sflag:s8] =	dma.local @!p0 [hbm:s6], $0xF7A  }
0x23: {  	s9 =	sor.u32 $0xD0000000, s2;
	s6 =	simm.s32 $0x108;
	_ =	swait.ge @!p0 [sflag:s8], $0x0  }
0x24: {  	s3 =	sadd.s32 $0x88, s3;
	s6 =	simm.s32 @!p1 $0x1082;
	[sflag:s4] =	ssyncset.s32 $0xFFFFF086  }
0x25: {  	[simem:s6], [sflag:s4] =	dma.local [hbm:s3], $0xF7A  }
0x26: {  	[smem:$0x3F9F] =	sst s1;
	(tag) =	ssettag s2;
	_ =	strace s9  }
0x27: {  	s1 =	sld [smem:$0x3FAF]  }
0x28: {  	s2 =	sld [smem:$0x3FB0]  }
0x29: {  	s4 =	sld [smem:$0x3FB2]  }
0x2a: {  	p0 =	seq.s32 s5, $0x0;
	s5 =	sld [smem:$0x3FB3]  }
0x2b: {  	s6 =	sld [smem:$0x3FB4]  }
0x2c: {  	s7 =	sld [smem:$0x3FB5]  }
0x2d: {  	s3 =	simm.s32 $0x108;
	s8 =	sld [smem:$0x3FB6]  }
0x2e: {  	s3 =	simm.s32 @!p0 $0x1082;
	s9 =	sld [smem:$0x3FB7]  }
0x2f: {  	lr =	sadd.s32 s0, s3;
	s0 =	sld [smem:$0x3FAE]  }
0x30: {  	s3 =	sld [smem:$0x3FB1]  }
0x31: {  	[smem:$0x3FBA] =	sst s10  }
0x32: {  	s10 =	sld [smem:$0x3FB8];
	_ =	sdelay $0x3  }
0x33: {  	p0 =	seq.s32 s10, $0x1;
	s10 =	sld [smem:$0x3FBA];
	_ =	sdelay $0x3  }
0x34: {  	[smem:$0x3FBA] =	sst s10  }
0x35: {  	s10 =	sld [smem:$0x3FB9];
	_ =	sdelay $0x3  }
0x36: {  	p1 =	seq.s32 s10, $0x1;
	s10 =	sld [smem:$0x3FBA];
	_ =	sdelay $0x3  }
0x37: {  	[smem:$0x3FBA] =	sst s10  }
0x38: {  	s10 =	sld [smem:$0x3FBB]  }
0x39: {  	_ = 	snop;
	(pc) =	sbr.ind lr, $3  }
0x3a: {  	_ = 	snop  }
0x3b: {  	_ = 	snop  }
0x3c: {  	p2 =	seq.s32 s10, $0x1;
	s10 =	sld [smem:$0x3FBA]  }
0x3d: {  	_ =	shalt  }
0x3e: {  	_ =	shalt  }
0x3f: {  	_ =	shalt  }
0x40: {  	_ =	shalt  }
0x41: {  	_ =	shalt  }
0x42: {  	_ =	shalt  }
0x43: {  	_ =	shalt  }
0x44: {  	_ =	shalt  }
0x45: {  	_ =	shalt  }
0x46: {  	_ =	shalt  }
0x47: {  	_ =	shalt  }
0x48: {  	_ =	shalt  }
0x49: {  	_ =	shalt  }
0x4a: {  	_ =	shalt  }
0x4b: {  	_ =	shalt  }
0x4c: {  	_ =	shalt  }
0x4d: {  	_ =	shalt  }
0x4e: {  	_ =	shalt  }
0x4f: {  	_ =	shalt  }
0x50: {  	_ =	shalt  }
0x51: {  	_ =	shalt  }
0x52: {  	_ =	shalt  }
0x53: {  	_ =	shalt  }
0x54: {  	_ =	shalt  }
0x55: {  	_ =	shalt  }
0x56: {  	_ =	shalt  }
0x57: {  	_ =	shalt  }
0x58: {  	_ =	shalt  }
0x59: {  	_ =	shalt  }
0x5a: {  	_ =	shalt  }
0x5b: {  	_ =	shalt  }
0x5c: {  	_ =	shalt  }
0x5d: {  	_ =	shalt  }
0x5e: {  	_ =	shalt  }
0x5f: {  	_ =	shalt  }
0x60: {  	_ =	shalt  }
0x61: {  	_ =	shalt  }
0x62: {  	_ =	shalt  }
0x63: {  	_ =	shalt  }
0x64: {  	_ =	shalt  }
0x65: {  	_ =	shalt  }
0x66: {  	_ =	shalt  }
0x67: {  	_ =	shalt  }
0x68: {  	_ =	shalt  }
0x69: {  	_ =	shalt  }
0x6a: {  	_ =	shalt  }
0x6b: {  	_ =	shalt  }
0x6c: {  	_ =	shalt  }
0x6d: {  	_ =	shalt  }
0x6e: {  	_ =	shalt  }
0x6f: {  	_ =	shalt  }
0x70: {  	_ =	shalt  }
0x71: {  	_ =	shalt  }
0x72: {  	_ =	shalt  }
0x73: {  	_ =	shalt  }
0x74: {  	_ =	shalt  }
0x75: {  	_ =	shalt  }
0x76: {  	_ =	shalt  }
0x77: {  	_ =	shalt  }
0x78: {  	_ =	shalt  }
0x79: {  	_ =	shalt  }
0x7a: {  	_ =	shalt  }
0x7b: {  	_ =	shalt  }
0x7c: {  	_ =	shalt  }
0x7d: {  	_ =	shalt  }
0x7e: {  	_ =	shalt  }
0x7f: {  	_ =	shalt  }
0x80: {  	_ =	shalt  }
0x81: {  	_ =	shalt  }
0x82: {  	_ =	shalt  }
0x83: {  	_ =	shalt  }
0x84: {  	_ =	shalt  }
0x85: {  	_ =	shalt  }
0x86: {  	_ =	shalt  }
0x87: {  	_ =	shalt  }
.Lfunc_end0:
.L_simem_size_0:
called_computation_lowered:
.L_overlay_start_0:
0x88: {  	s2 =	sld [smem:$0x3FD9]  }
0x89: {  	s3 =	sld [smem:$0x3FFE];
	_ =	sdelay $0x1  }
0x8a: {  	s1 =	srdreg.scid  }
0x8b: {  	s0 =	sand.u32 $0x1, s1  }
0x8c: {  	s17 =	sshll.u32 s0, $0xA;
	s2 =	sadd.s32 s3, s2  }
0x8d: {  	s2 =	sadd.s32 s2, s17  }
0x8e: {  	[smem:$0x3FC6] =	sst s2  }
0x8f: {  	_ = 	snop  }
0x90: {  	s2 =	sld [smem:$0x3FC8];
	(tm) =	ssettm $0x1  }
0x91: {  	s18 =	sld [smem:$0x3FFB];
	_ =	sdelay $0x3  }
0x92: {  	_ =	strace s18  }
0x93: {  	s3 =	sld [smem:$0x3FFC];
	_ =	sdelay $0x3  }
0x94: {  	_ =	strace s3  }
0x95: {  	s3 =	sld [smem:$0x3FFD];
	_ =	sdelay $0x3  }
0x96: {  	_ =	strace s3  }
0x97: {  	_ =	strace $0x8FFFFFFF  }
0x98: {  	s19 =	sld [smem:$0x3FDB];
	_ =	sdelay $0x1  }
0x99: {  	s4 =	simm.s32 $_scs_section_size  }
0x9a: {  	s5 =	simm.s32 $_size__tile_overlayer_lowered;
	s6 =	simm.s32 $_tile_overlayer_lowered  }
0x9b: {  	s22 =	simm.s32 $0x1BFF;
	s21 =	sshll.u32 s6, $0x1;
	s3 =	sadd.s32 s4, s19  }
0x9c: {  	s7 =	simm.s32 $0x0;
	s20 =	sshll.u32 s5, $0x1;
	s5 =	sadd.s32 s21, s3  }
0x9d: {  	[timem:s7], [sflag:s22] =	dma.local [hbm:s5], s20  }
0x9e: {  	_ =	swait.ge [sflag:s22], s20  }
0x9f: {  	s4 =	ssub.s32 $0x0, s20;
	[sflag:s22] =	ssyncset.done $0x0  }
0xa0: {  	[sflag:s22] =	ssyncadd.s32 s4;
	_ =	sdelay $0x1  }
0xa1: {  	s23 =	simm.s32 $0x1B8B  }
0xa2: {  	_ =	swait.ge [sflag:s23], $0x1  }
0xa3: {  	[sflag:s23] =	ssyncset.done $0x0  }
0xa4: {  	s25 =	simm.s32 $0x1B8E;
	s24 =	sld [smem:$0x3FFE];
	[sflag:s23] =	ssyncadd.s32 $0xFFFFFFFF  }
0xa5: {  	s26 =	simm.s32 $execute0_lowered;
	[smem:$0x3FD2] =	sst s25  }
0xa6: {  	s5 =	sshll.u32 s26, $0x1;
	_ =	strace $0x80000046;
	[dreg:$0x1] =	wrdreg $0xFFFFFFFF  }
0xa7: {  	s28 =	simm.s32 $_size_execute0_lowered;
	s3 =	sadd.s32 s3, s5;
	[dreg:$0x0] =	wrdreg $0x0  }
0xa8: {  	s5 =	sshll.u32 s28, $0x1;
	[dreg:$0x2] =	wrdreg s3  }
0xa9: {  	[dreg:$0x3] =	wrdreg s5  }
0xaa: {  	[dreg:$0x4] =	wrdreg $0xC0  }
0xab: {  	_ =	task [dreg:s7], $0x5FFFF  }
0xac: {  	[dreg:$0x1] =	wrdreg $0xFFFFFFFF  }
0xad: {  	[dreg:$0x0] =	wrdreg $0x60  }
0xae: {  	[dreg:$0x2] =	wrdreg s24  }
0xaf: {  	[dreg:$0x3] =	wrdreg s2  }
0xb0: {  	[dreg:$0x4] =	wrdreg $0x9  }
0xb1: {  	_ =	task.clear_ibuf [dreg:s7], $0x5FFFF;
	_ =	strace $0x90000046  }
0xb2: {  	s29 =	simm.s32 $0x9;
	_ =	strace $0x80000048  }
0xb3: {  	_ =	swait.ge [sflag:s29], $0x1  }
0xb4: {  	[sflag:s29] =	ssyncadd.s32 $0xFFFFFFFF  }
0xb5: {  	_ =	strace $0x90000048  }
0xb6: {  	_ =	sfence  }
0xb7: {  	s30 =	sld [smem:$0x0];
	_ =	sdelay $0x2  }
0xb8: {  	s31 =	sshll.u32 s1, $0xD;
	s1 =	sshrl.u32 s1, $0x2  }
0xb9: {  	s3 =	sand.u32 $0x4000, s31;
	s1 =	sadd.s32 s1, s30  }
0xba: {  	s0 =	sor.u32 s3, s0;
	s1 =	sshll.u32 s1, $0x11  }
0xbb: {  	s0 =	sor.u32 s1, s0  }
0xbc: {  	s0 =	sadd.s32 $0x8F2B, s0  }
0xbd: {  	[sflag:s0] =	ssyncadd.remote.s32 $0x1  }
0xbe: {  	_ =	sfence.sel $0xFFFF  }
0xbf: {  	[dreg:$0x0] =	wrdreg $0xFFFFFFFF;
	(pc) =	sbr.abs _section_cstart, $3  }
0xc0: {  	[dreg:$0x1] =	wrdreg $0xFFFFFFFF  }
0xc1: {  	_ =	task.clear_ibuf [dreg:s7], $0x2FFFF;
	_ =	strace $0x9FFFFFFF  }
0xc2: {  	(tm) =	ssettm $0x7FFFFFFF  }
0xc3: {  	_ =	shalt  }
tec
execute0_lowered:
.L_overlay_start_1:
0x0: {  	(tag) =	ssettag $0x1  }
0x1: {  	v0 =	vimm.s32 $0x3FE0;
	vm14 =	vcmask $0x300  }
0x2: {  	vm13 =	vcmask $0x704;
	vm12 =	vcmask $0xB08;
	vm11 =	vcmask $0xF0C  }
0x3: {  	vm10 =	vcmask $0x1310;
	vm9 =	vcmask $0x1714;
	vm8 =	vcmask $0x1B18  }
0x4: {  	vm3 =	vcmask $0x1F1C;
	v2 =	vimm.s32 $0x3FE1;
	v3 =	vimm.s32 $0x3FE2  }
0x5: {  	vm0 =	vcmask $0x2320;
	vm1 =	vcmask $0x2724;
	vm2 =	vcmask $0x2B28  }
0x6: {  	vm4 =	vcmask $0x2F2C;
	vm5 =	vcmask $0x3330;
	vm6 =	vcmask $0x3734  }
0x7: {  	vm7 =	vcmask $0x3B38;
	v4 =	vimm.s32 $0x3FE3;
	v5 =	vimm.s32 $0x3FE4  }
0x8: {  	v6 =	vimm.s32 $0x3FE5;
	v7 =	vimm.s32 $0x3FE6;
	v8 =	vimm.s32 $0x3FE7  }
0x9: {  	v9 =	vimm.s32 $0x7FE0;
	v10 =	vimm.s32 $0x7FE1;
	v11 =	vimm.s32 $0x7FE2  }
0xa: {  	v12 =	vimm.s32 $0x7FE3;
	v13 =	vimm.s32 $0x7FE4;
	v14 =	vimm.s32 $0x7FE5  }
0xb: {  	v15 =	vimm.s32 $0x7FE6;
	v16 =	vimm.s32 $0x7FE7;
	v17 =	vimm.s32 $0x2380  }
0xc: {  	v18 =	vimm.s32 $0x6380;
	v0 =	vsel vm14, $0x1C60, v0;
	v2 =	vsel vm14, $0x1C61, v2  }
0xd: {  	v3 =	vsel vm14, $0x1C62, v3;
	v4 =	vsel vm14, $0x1C63, v4;
	v5 =	vsel vm14, $0x1C64, v5  }
0xe: {  	v6 =	vsel vm14, $0x1C65, v6;
	v7 =	vsel vm14, $0x1C66, v7;
	v8 =	vsel vm14, $0x1C67, v8  }
0xf: {  	v9 =	vsel vm14, $0x5C60, v9;
	v10 =	vsel vm14, $0x5C61, v10;
	v11 =	vsel vm14, $0x5C62, v11  }
0x10: {  	v12 =	vsel vm14, $0x5C63, v12;
	v13 =	vsel vm14, $0x5C64, v13;
	v14 =	vsel vm14, $0x5C65, v14  }
0x11: {  	v15 =	vsel vm14, $0x5C66, v15;
	v16 =	vsel vm14, $0x5C67, v16;
	v17 =	vsel vm14, $0x0, v17  }
0x12: {  	v18 =	vsel vm14, $0x4000, v18;
	v0 =	vsel vm13, $0x1CE0, v0;
	v2 =	vsel vm13, $0x1CE1, v2  }
0x13: {  	v3 =	vsel vm13, $0x1CE2, v3;
	v4 =	vsel vm13, $0x1CE3, v4;
	v5 =	vsel vm13, $0x1CE4, v5  }
0x14: {  	v6 =	vsel vm13, $0x1CE5, v6;
	v7 =	vsel vm13, $0x1CE6, v7;
	v8 =	vsel vm13, $0x1CE7, v8  }
0x15: {  	v9 =	vsel vm13, $0x5CE0, v9;
	v10 =	vsel vm13, $0x5CE1, v10;
	v11 =	vsel vm13, $0x5CE2, v11  }
0x16: {  	v12 =	vsel vm13, $0x5CE3, v12;
	v13 =	vsel vm13, $0x5CE4, v13;
	v14 =	vsel vm13, $0x5CE5, v14  }
0x17: {  	v15 =	vsel vm13, $0x5CE6, v15;
	v16 =	vsel vm13, $0x5CE7, v16;
	v17 =	vsel vm13, $0x80, v17  }
0x18: {  	v18 =	vsel vm13, $0x4080, v18;
	v0 =	vsel vm12, $0x1D60, v0;
	v2 =	vsel vm12, $0x1D61, v2  }
0x19: {  	v3 =	vsel vm12, $0x1D62, v3;
	v4 =	vsel vm12, $0x1D63, v4;
	v5 =	vsel vm12, $0x1D64, v5  }
0x1a: {  	v6 =	vsel vm12, $0x1D65, v6;
	v7 =	vsel vm12, $0x1D66, v7;
	v8 =	vsel vm12, $0x1D67, v8  }
0x1b: {  	v9 =	vsel vm12, $0x5D60, v9;
	v10 =	vsel vm12, $0x5D61, v10;
	v11 =	vsel vm12, $0x5D62, v11  }
0x1c: {  	v12 =	vsel vm12, $0x5D63, v12;
	v13 =	vsel vm12, $0x5D64, v13;
	v14 =	vsel vm12, $0x5D65, v14  }
0x1d: {  	v15 =	vsel vm12, $0x5D66, v15;
	v16 =	vsel vm12, $0x5D67, v16;
	v17 =	vsel vm12, $0x100, v17  }
0x1e: {  	v18 =	vsel vm12, $0x4100, v18;
	v0 =	vsel vm11, $0x1DE0, v0;
	v2 =	vsel vm11, $0x1DE1, v2  }
0x1f: {  	v3 =	vsel vm11, $0x1DE2, v3;
	v4 =	vsel vm11, $0x1DE3, v4;
	v5 =	vsel vm11, $0x1DE4, v5  }
0x20: {  	v6 =	vsel vm11, $0x1DE5, v6;
	v7 =	vsel vm11, $0x1DE6, v7;
	v8 =	vsel vm11, $0x1DE7, v8  }
0x21: {  	v9 =	vsel vm11, $0x5DE0, v9;
	v10 =	vsel vm11, $0x5DE1, v10;
	v11 =	vsel vm11, $0x5DE2, v11  }
0x22: {  	v12 =	vsel vm11, $0x5DE3, v12;
	v13 =	vsel vm11, $0x5DE4, v13;
	v14 =	vsel vm11, $0x5DE5, v14  }
0x23: {  	v15 =	vsel vm11, $0x5DE6, v15;
	v16 =	vsel vm11, $0x5DE7, v16;
	v17 =	vsel vm11, $0x180, v17  }
0x24: {  	v18 =	vsel vm11, $0x4180, v18;
	v0 =	vsel vm10, $0x1E60, v0;
	v2 =	vsel vm10, $0x1E61, v2  }
0x25: {  	v3 =	vsel vm10, $0x1E62, v3;
	v4 =	vsel vm10, $0x1E63, v4;
	v5 =	vsel vm10, $0x1E64, v5  }
0x26: {  	v6 =	vsel vm10, $0x1E65, v6;
	v7 =	vsel vm10, $0x1E66, v7;
	v8 =	vsel vm10, $0x1E67, v8  }
0x27: {  	v9 =	vsel vm10, $0x5E60, v9;
	v10 =	vsel vm10, $0x5E61, v10;
	v11 =	vsel vm10, $0x5E62, v11  }
0x28: {  	v12 =	vsel vm10, $0x5E63, v12;
	v13 =	vsel vm10, $0x5E64, v13;
	v14 =	vsel vm10, $0x5E65, v14  }
0x29: {  	v15 =	vsel vm10, $0x5E66, v15;
	v16 =	vsel vm10, $0x5E67, v16;
	v17 =	vsel vm10, $0x200, v17  }
0x2a: {  	v18 =	vsel vm10, $0x4200, v18;
	v1 =	vsel vm9, $0x1EE0, v0;
	v0 =	vimm.f32 $0.0e+00  }
0x2b: {  	v2 =	vsel vm9, $0x1EE1, v2;
	v3 =	vsel vm9, $0x1EE2, v3;
	v4 =	vsel vm9, $0x1EE3, v4  }
0x2c: {  	v5 =	vsel vm9, $0x1EE4, v5;
	v6 =	vsel vm9, $0x1EE5, v6;
	v7 =	vsel vm9, $0x1EE6, v7  }
0x2d: {  	v8 =	vsel vm9, $0x1EE7, v8;
	v9 =	vsel vm9, $0x5EE0, v9;
	v10 =	vsel vm9, $0x5EE1, v10  }
0x2e: {  	v11 =	vsel vm9, $0x5EE2, v11;
	v12 =	vsel vm9, $0x5EE3, v12;
	v13 =	vsel vm9, $0x5EE4, v13  }
0x2f: {  	v14 =	vsel vm9, $0x5EE5, v14;
	v15 =	vsel vm9, $0x5EE6, v15;
	v16 =	vsel vm9, $0x5EE7, v16  }
0x30: {  	v17 =	vsel vm9, $0x280, v17;
	v18 =	vsel vm9, $0x4280, v18;
	v1 =	vsel vm8, $0x1F60, v1  }
0x31: {  	v2 =	vsel vm8, $0x1F61, v2;
	v3 =	vsel vm8, $0x1F62, v3;
	v4 =	vsel vm8, $0x1F63, v4  }
0x32: {  	v5 =	vsel vm8, $0x1F64, v5;
	v6 =	vsel vm8, $0x1F65, v6;
	v7 =	vsel vm8, $0x1F66, v7  }
0x33: {  	v8 =	vsel vm8, $0x1F67, v8;
	v9 =	vsel vm8, $0x5F60, v9;
	v10 =	vsel vm8, $0x5F61, v10  }
0x34: {  	v11 =	vsel vm8, $0x5F62, v11;
	v12 =	vsel vm8, $0x5F63, v12;
	v13 =	vsel vm8, $0x5F64, v13  }
0x35: {  	v14 =	vsel vm8, $0x5F65, v14;
	v15 =	vsel vm8, $0x5F66, v15;
	v16 =	vsel vm8, $0x5F67, v16  }
0x36: {  	v17 =	vsel vm8, $0x300, v17;
	v18 =	vsel vm8, $0x4300, v18;
	v1 =	vsel vm3, $0x1FE0, v1  }
0x37: {  	v2 =	vsel vm3, $0x1FE1, v2;
	v3 =	vsel vm3, $0x1FE2, v3;
	v4 =	vsel vm3, $0x1FE3, v4  }
0x38: {  	v5 =	vsel vm3, $0x1FE4, v5;
	v6 =	vsel vm3, $0x1FE5, v6;
	v7 =	vsel vm3, $0x1FE6, v7  }
0x39: {  	v8 =	vsel vm3, $0x1FE7, v8;
	v9 =	vsel vm3, $0x5FE0, v9;
	v10 =	vsel vm3, $0x5FE1, v10  }
0x3a: {  	v11 =	vsel vm3, $0x5FE2, v11;
	v12 =	vsel vm3, $0x5FE3, v12;
	v13 =	vsel vm3, $0x5FE4, v13  }
0x3b: {  	v14 =	vsel vm3, $0x5FE5, v14;
	v15 =	vsel vm3, $0x5FE6, v15;
	v16 =	vsel vm3, $0x5FE7, v16  }
0x3c: {  	v17 =	vsel vm3, $0x380, v17;
	v18 =	vsel vm3, $0x4380, v18;
	v1 =	vsel vm0, $0x3C60, v1  }
0x3d: {  	v2 =	vsel vm0, $0x3C61, v2;
	v3 =	vsel vm0, $0x3C62, v3;
	v4 =	vsel vm0, $0x3C63, v4  }
0x3e: {  	v5 =	vsel vm0, $0x3C64, v5;
	v6 =	vsel vm0, $0x3C65, v6;
	v7 =	vsel vm0, $0x3C66, v7  }
0x3f: {  	v8 =	vsel vm0, $0x3C67, v8;
	v9 =	vsel vm0, $0x7C60, v9;
	v10 =	vsel vm0, $0x7C61, v10  }
0x40: {  	v11 =	vsel vm0, $0x7C62, v11;
	v12 =	vsel vm0, $0x7C63, v12;
	v13 =	vsel vm0, $0x7C64, v13  }
0x41: {  	v14 =	vsel vm0, $0x7C65, v14;
	v15 =	vsel vm0, $0x7C66, v15;
	v16 =	vsel vm0, $0x7C67, v16  }
0x42: {  	v17 =	vsel vm0, $0x2000, v17;
	v18 =	vsel vm0, $0x6000, v18;
	v1 =	vsel vm1, $0x3CE0, v1  }
0x43: {  	v2 =	vsel vm1, $0x3CE1, v2;
	v3 =	vsel vm1, $0x3CE2, v3;
	v4 =	vsel vm1, $0x3CE3, v4  }
0x44: {  	v5 =	vsel vm1, $0x3CE4, v5;
	v6 =	vsel vm1, $0x3CE5, v6;
	v7 =	vsel vm1, $0x3CE6, v7  }
0x45: {  	v8 =	vsel vm1, $0x3CE7, v8;
	v9 =	vsel vm1, $0x7CE0, v9;
	v10 =	vsel vm1, $0x7CE1, v10  }
0x46: {  	v11 =	vsel vm1, $0x7CE2, v11;
	v12 =	vsel vm1, $0x7CE3, v12;
	v13 =	vsel vm1, $0x7CE4, v13  }
0x47: {  	v14 =	vsel vm1, $0x7CE5, v14;
	v15 =	vsel vm1, $0x7CE6, v15;
	v16 =	vsel vm1, $0x7CE7, v16  }
0x48: {  	v17 =	vsel vm1, $0x2080, v17;
	v18 =	vsel vm1, $0x6080, v18;
	v1 =	vsel vm2, $0x3D60, v1  }
0x49: {  	v2 =	vsel vm2, $0x3D61, v2;
	v3 =	vsel vm2, $0x3D62, v3;
	v4 =	vsel vm2, $0x3D63, v4  }
0x4a: {  	v5 =	vsel vm2, $0x3D64, v5;
	v6 =	vsel vm2, $0x3D65, v6;
	v7 =	vsel vm2, $0x3D66, v7  }
0x4b: {  	v8 =	vsel vm2, $0x3D67, v8;
	v9 =	vsel vm2, $0x7D60, v9;
	v10 =	vsel vm2, $0x7D61, v10  }
0x4c: {  	v11 =	vsel vm2, $0x7D62, v11;
	v12 =	vsel vm2, $0x7D63, v12;
	v13 =	vsel vm2, $0x7D64, v13  }
0x4d: {  	v14 =	vsel vm2, $0x7D65, v14;
	v15 =	vsel vm2, $0x7D66, v15;
	v16 =	vsel vm2, $0x7D67, v16  }
0x4e: {  	s2 =	rddreg [dreg:$0x0];
	v17 =	vsel vm2, $0x2100, v17;
	v18 =	vsel vm2, $0x6100, v18;
	v1 =	vsel vm4, $0x3DE0, v1  }
0x4f: {  	s3 =	rddreg [dreg:$0x1];
	s1 =	simm.s32 $0x0;
	v2 =	vsel vm4, $0x3DE1, v2;
	v3 =	vsel vm4, $0x3DE2, v3;
	v4 =	vsel vm4, $0x3DE3, v4  }
0x50: {  	s0 =	srdreg.scid;
	s6 =	stileid.u32;
	s30 =	simm.s32 $0x5;
	v5 =	vsel vm4, $0x3DE4, v5;
	v6 =	vsel vm4, $0x3DE5, v6;
	v7 =	vsel vm4, $0x3DE6, v7  }
0x51: {  	s31 =	simm.s32 $0x8100;
	[smem:$0x7FF] =	sst s1;
	s4 =	sand.u32 $0x1, s0;
	v8 =	vsel vm4, $0x3DE7, v8;
	v9 =	vsel vm4, $0x7DE0, v9;
	v10 =	vsel vm4, $0x7DE1, v10  }
0x52: {  	s6 =	sshll.u32 s6, $0x8;
	s12 =	sadd.s32 $0x400, s2;
	s2 =	sadd.s32 $0x200400, s2;
	v11 =	vsel vm4, $0x7DE2, v11;
	v12 =	vsel vm4, $0x7DE3, v12;
	v13 =	vsel vm4, $0x7DE4, v13  }
0x53: {  	s0 =	simm.s32 $0x10100;
	s5 =	sshll.u32 s4, $0xC;
	s4 =	ssub.s32 $0x2, s4;
	v14 =	vsel vm4, $0x7DE5, v14;
	v15 =	vsel vm4, $0x7DE6, v15;
	v16 =	vsel vm4, $0x7DE7, v16  }
0x54: {  	_ =	strace $0x80000047;
	s5 =	sor.u32 s6, s5;
	s13 =	sshrl.u32 s4, $0x1;
	v17 =	vsel vm4, $0x2180, v17;
	v18 =	vsel vm4, $0x6180, v18;
	v1 =	vsel vm5, $0x3E60, v1  }
0x55: {  	s7 =	sshrl.u32 s5, $0x3;
	s6 =	ssub.s32 s4, s13;
	s14 =	sshll.u32 s5, $0x7;
	v2 =	vsel vm5, $0x3E61, v2;
	v3 =	vsel vm5, $0x3E62, v3;
	v4 =	vsel vm5, $0x3E63, v4  }
0x56: {  	s3 =	sadd.s32 s3, s7;
	s5 =	sor.u32 $0x100000, s14;
	s15 =	sor.u32 $0x101000, s14;
	v5 =	vsel vm5, $0x3E64, v5;
	v6 =	vsel vm5, $0x3E65, v6;
	v7 =	vsel vm5, $0x3E66, v7  }
0x57: {  	s4 =	sadd.s32 s2, s14;
	[dreg:$0x3] =	wrdreg s3;
	s8 =	sadd.s32 s12, s5;
	v8 =	vsel vm5, $0x3E67, v8;
	v9 =	vsel vm5, $0x7E60, v9;
	v10 =	vsel vm5, $0x7E61, v10  }
0x58: {  	s20 =	sor.u32 $0x102000, s14;
	s16 =	sadd.s32 s12, s15;
	[dreg:$0x4] =	wrdreg s8;
	v11 =	vsel vm5, $0x7E62, v11;
	v12 =	vsel vm5, $0x7E63, v12;
	v13 =	vsel vm5, $0x7E64, v13  }
0x59: {  	s22 =	sor.u32 $0x103000, s14;
	s17 =	sadd.s32 $0x1000, s4;
	[dreg:$0x5] =	wrdreg s16;
	v14 =	vsel vm5, $0x7E65, v14;
	v15 =	vsel vm5, $0x7E66, v15;
	v16 =	vsel vm5, $0x7E67, v16  }
0x5a: {  	s24 =	sor.u32 $0x104000, s14;
	s18 =	sadd.s32 $0x2000, s4;
	[dreg:$0x6] =	wrdreg s17;
	v17 =	vsel vm5, $0x2200, v17;
	v18 =	vsel vm5, $0x6200, v18;
	v1 =	vsel vm6, $0x3EE0, v1  }
0x5b: {  	s25 =	sor.u32 $0x105000, s14;
	s19 =	sadd.s32 $0x3000, s4;
	[dreg:$0x7] =	wrdreg s18;
	v2 =	vsel vm6, $0x3EE1, v2;
	v3 =	vsel vm6, $0x3EE2, v3;
	v4 =	vsel vm6, $0x3EE3, v4  }
0x5c: {  	s26 =	sor.u32 $0x106000, s14;
	s5 =	sadd.s32 s2, s5;
	[dreg:$0x8] =	wrdreg s19;
	v5 =	vsel vm6, $0x3EE4, v5;
	v6 =	vsel vm6, $0x3EE5, v6;
	v7 =	vsel vm6, $0x3EE6, v7  }
0x5d: {  	s21 =	sadd.s32 s12, s20;
	s7 =	sadd.s32 s2, s15;
	[dreg:$0x9] =	wrdreg s5;
	v8 =	vsel vm6, $0x3EE7, v8;
	v9 =	vsel vm6, $0x7EE0, v9;
	v10 =	vsel vm6, $0x7EE1, v10  }
0x5e: {  	s23 =	sadd.s32 s12, s22;
	s15 =	sadd.s32 s12, s24;
	[dreg:$0xa] =	wrdreg s21;
	v11 =	vsel vm6, $0x7EE2, v11;
	v12 =	vsel vm6, $0x7EE3, v12;
	v13 =	vsel vm6, $0x7EE4, v13  }
0x5f: {  	s3 =	sor.u32 $0x107000, s14;
	s28 =	sadd.s32 $0x6000, s4;
	[dreg:$0xb] =	wrdreg s7;
	v14 =	vsel vm6, $0x7EE5, v14;
	v15 =	vsel vm6, $0x7EE6, v15;
	v16 =	vsel vm6, $0x7EE7, v16  }
0x60: {  	s29 =	sadd.s32 $0x7000, s4;
	[dreg:$0xc] =	wrdreg s23;
	s8 =	sadd.s32 s2, s20;
	v17 =	vsel vm6, $0x2280, v17;
	v19 =	vsel vm6, $0x6280, v18;
	v18 =	vimm.f32 $1.000000000e+00  }
0x61: {  	s16 =	sadd.s32 s2, s22;
	s17 =	sadd.s32 s12, s25;
	s18 =	sadd.s32 s2, s24;
	v1 =	vsel vm7, $0x3F60, v1;
	v2 =	vsel vm7, $0x3F61, v2;
	v3 =	vsel vm7, $0x3F62, v3  }
0x62: {  	s19 =	sadd.s32 s12, s26;
	s20 =	sadd.s32 s2, s25;
	s21 =	sadd.s32 s12, s3;
	v4 =	vsel vm7, $0x3F63, v4;
	v5 =	vsel vm7, $0x3F64, v5;
	v6 =	vsel vm7, $0x3F65, v6  }
0x63: {  	s22 =	sadd.s32 s2, s26;
	s23 =	sadd.s32 s2, s3;
	s24 =	sadd.s32 $0x4000, s4;
	v7 =	vsel vm7, $0x3F66, v7;
	v8 =	vsel vm7, $0x3F67, v8;
	v9 =	vsel vm7, $0x7F60, v9  }
0x64: {  	s25 =	smax.u32 s6, $0x1;
	s26 =	sadd.s32 $0x5000, s4;
	s2 =	simm.s32 $0x100;
	v10 =	vsel vm7, $0x7F61, v10;
	v11 =	vsel vm7, $0x7F62, v11;
	v12 =	vsel vm7, $0x7F63, v12  }
0x65: {  	s3 =	simm.s32 $0x1;
	s5 =	simm.s32 $0x3;
	s6 =	simm.s32 $0x2;
	v13 =	vsel vm7, $0x7F64, v13;
	v14 =	vsel vm7, $0x7F65, v14;
	v15 =	vsel vm7, $0x7F66, v15  }
0x66: {  	s7 =	simm.s32 $0x4;
	[dreg:$0xd] =	wrdreg s8;
	s8 =	simm.s32 $0x0;
	v16 =	vsel vm7, $0x7F67, v16;
	v17 =	vsel vm7, $0x2300, v17;
	v19 =	vsel vm7, $0x6300, v19  }
.LBB2_1:
0x67: {  	s9 =	rddreg [dreg:$0x3]  }
0x68: {  	[tilespmem:s1], [sflag:$0x5] =	stream.linear.gather [hbm4b:s9+s1], $0x100, $0x38;
	[tilespmem:$0x18100] =	vst v63  }
0x69: {  	_ =	swait.ge [sflag:s30], $0x100  }
0x6a: {  	s10 =	simm.s32 $0x0;
	[sflag:s30] =	ssyncset.done $0x0  }
0x6b: {  	s11 =	simm.s32 $0x0;
	s13 =	rddreg [dreg:$0x4];
	[sflag:s30] =	ssyncadd.s32 $0xFFFFFF00  }
0x6c: {  	[tilespmem:s31], [sflag:$0x1] =	stream.linear.gather [hbm4b:s13+s1], $0x8000, $0x38;
	[tilespmem:$0x18100] =	vst v63  }
0x6d: {  	s12 =	simm.s32 $0x0;
	s9 =	simm.s32 $0xFFFF8000;
	s14 =	rddreg [dreg:$0x5]  }
0x6e: {  	[tilespmem:s0], [sflag:$0x2] =	stream.linear.gather [hbm4b:s14+s1], $0x8000, $0x38;
	[tilespmem:$0x18100] =	vst v63  }
.LBB2_2:
0x6f: {  	s13 =	sadd.s32 $0x8000, s9  }
0x70: {  	s14 =	sand.u32 $0x380, s12;
	s13 =	sand.u32 $0x6000, s13  }
0x71: {  	s13 =	sor.u32 s14, s13  }
0x72: {  	[tilespmem:s13+$0x100] =	vst v0  }
0x73: {  	[tilespmem:s13+$0x110] =	vst v0  }
0x74: {  	[tilespmem:s13+$0x120] =	vst v0  }
0x75: {  	[tilespmem:s13+$0x130] =	vst v0  }
0x76: {  	[tilespmem:s13+$0x140] =	vst v0  }
0x77: {  	[tilespmem:s13+$0x150] =	vst v0  }
0x78: {  	[tilespmem:s13+$0x160] =	vst v0  }
0x79: {  	[tilespmem:s13+$0x170] =	vst v0  }
0x7a: {  	[tilespmem:s13+$0x500] =	vst v0  }
0x7b: {  	[tilespmem:s13+$0x510] =	vst v0  }
0x7c: {  	[tilespmem:s13+$0x520] =	vst v0  }
0x7d: {  	[tilespmem:s13+$0x530] =	vst v0  }
0x7e: {  	[tilespmem:s13+$0x540] =	vst v0  }
0x7f: {  	[tilespmem:s13+$0x550] =	vst v0  }
0x80: {  	[tilespmem:s13+$0x560] =	vst v0  }
0x81: {  	[tilespmem:s13+$0x570] =	vst v0  }
0x82: {  	[tilespmem:s13+$0x900] =	vst v0  }
0x83: {  	[tilespmem:s13+$0x910] =	vst v0  }
0x84: {  	[tilespmem:s13+$0x920] =	vst v0  }
0x85: {  	[tilespmem:s13+$0x930] =	vst v0  }
0x86: {  	[tilespmem:s13+$0x940] =	vst v0  }
0x87: {  	[tilespmem:s13+$0x950] =	vst v0  }
0x88: {  	[tilespmem:s13+$0x960] =	vst v0  }
0x89: {  	[tilespmem:s13+$0x970] =	vst v0  }
0x8a: {  	[tilespmem:s13+$0xD00] =	vst v0  }
0x8b: {  	[tilespmem:s13+$0xD10] =	vst v0  }
0x8c: {  	[tilespmem:s13+$0xD20] =	vst v0  }
0x8d: {  	[tilespmem:s13+$0xD30] =	vst v0  }
0x8e: {  	[tilespmem:s13+$0xD40] =	vst v0  }
0x8f: {  	[tilespmem:s13+$0xD50] =	vst v0  }
0x90: {  	[tilespmem:s13+$0xD60] =	vst v0  }
0x91: {  	[tilespmem:s13+$0xD70] =	vst v0  }
0x92: {  	[tilespmem:s13+$0x1100] =	vst v0  }
0x93: {  	[tilespmem:s13+$0x1110] =	vst v0  }
0x94: {  	[tilespmem:s13+$0x1120] =	vst v0  }
0x95: {  	[tilespmem:s13+$0x1130] =	vst v0  }
0x96: {  	[tilespmem:s13+$0x1140] =	vst v0  }
0x97: {  	[tilespmem:s13+$0x1150] =	vst v0  }
0x98: {  	[tilespmem:s13+$0x1160] =	vst v0  }
0x99: {  	[tilespmem:s13+$0x1170] =	vst v0  }
0x9a: {  	[tilespmem:s13+$0x1500] =	vst v0  }
0x9b: {  	[tilespmem:s13+$0x1510] =	vst v0  }
0x9c: {  	[tilespmem:s13+$0x1520] =	vst v0  }
0x9d: {  	[tilespmem:s13+$0x1530] =	vst v0  }
0x9e: {  	[tilespmem:s13+$0x1540] =	vst v0  }
0x9f: {  	[tilespmem:s13+$0x1550] =	vst v0  }
0xa0: {  	[tilespmem:s13+$0x1560] =	vst v0  }
0xa1: {  	[tilespmem:s13+$0x1570] =	vst v0  }
0xa2: {  	[tilespmem:s13+$0x1900] =	vst v0  }
0xa3: {  	[tilespmem:s13+$0x1910] =	vst v0  }
0xa4: {  	[tilespmem:s13+$0x1920] =	vst v0  }
0xa5: {  	[tilespmem:s13+$0x1930] =	vst v0  }
0xa6: {  	s14 =	sand.u32 $0x7, s10;
	[tilespmem:s13+$0x1940] =	vst v0  }
0xa7: {  	s14 =	sshll.u32 s14, $0x7;
	[tilespmem:s13+$0x1950] =	vst v0  }
0xa8: {  	[tilespmem:s13+$0x1960] =	vst v0;
	s14 =	sadd.s32 s14, s11  }
0xa9: {  	[tilespmem:s13+$0x1970] =	vst v0;
	s13 =	sor.u32 $0x1C00, s14  }
0xaa: {  	p0 =	sne.s32 s12, $0xF80;
	[tilespmem:s13+$0x100] =	vst v0;
	s13 =	sor.u32 $0x1C10, s14  }
.Ltmp0:
0xab: {  	[tilespmem:s13+$0x100] =	vst v0;
	s13 =	sor.u32 $0x1C20, s14;
	(pc) =	sbr.rel @p0 .LBB2_2-.Ltmp0, $4  }
0xac: {  	[tilespmem:s13+$0x100] =	vst v0;
	s13 =	sor.u32 $0x1C30, s14  }
0xad: {  	[tilespmem:s13+$0x100] =	vst v0;
	s13 =	sor.u32 $0x1C40, s14  }
0xae: {  	s9 =	sadd.s32 $0x400, s9;
	s14 =	sor.u32 $0x1C50, s14;
	[tilespmem:s13+$0x100] =	vst v0  }
0xaf: {  	s12 =	sadd.s32 $0x80, s12;
	s10 =	sadd.s32 $0x1, s10;
	s11 =	sadd.s32 $0x400, s11;
	[tilespmem:s14+$0x100] =	vst v0  }
0xb0: {  	_ =	sdelay $0x3  }
0xb1: {  	[tilespmem:v1+s2+$0x0] =	vst.idx.msk $0xffff, v0  }
0xb2: {  	[tilespmem:v2+s2+$0x0] =	vst.idx.msk $0xffff, v0  }
0xb3: {  	[tilespmem:v3+s2+$0x0] =	vst.idx.msk $0xffff, v0  }
0xb4: {  	[tilespmem:v4+s2+$0x0] =	vst.idx.msk $0xffff, v0  }
0xb5: {  	[tilespmem:v5+s2+$0x0] =	vst.idx.msk $0xffff, v0  }
0xb6: {  	[tilespmem:v6+s2+$0x0] =	vst.idx.msk $0xffff, v0  }
0xb7: {  	[tilespmem:v7+s2+$0x0] =	vst.idx.msk $0xffff, v0  }
0xb8: {  	[tilespmem:v8+s2+$0x0] =	vst.idx.msk $0xffff, v0  }
0xb9: {  	[tilespmem:v9+s2+$0x0] =	vst.idx.msk $0xffff, v0  }
0xba: {  	[tilespmem:v10+s2+$0x0] =	vst.idx.msk $0xffff, v0  }
0xbb: {  	[tilespmem:v11+s2+$0x0] =	vst.idx.msk $0xffff, v0  }
0xbc: {  	[tilespmem:v12+s2+$0x0] =	vst.idx.msk $0xffff, v0  }
0xbd: {  	[tilespmem:v13+s2+$0x0] =	vst.idx.msk $0xffff, v0  }
0xbe: {  	[tilespmem:v14+s2+$0x0] =	vst.idx.msk $0xffff, v0  }
0xbf: {  	[tilespmem:v15+s2+$0x0] =	vst.idx.msk $0xffff, v0  }
0xc0: {  	[tilespmem:v16+s2+$0x0] =	vst.idx.msk $0xffff, v0  }
0xc1: {  	v20 =	vld [tilespmem:$0x0];
	_ =	sdelay $0x4  }
0xc2: {  	v21 =	vshll.u32 v20, $0x3  }
0xc3: {  	v20 =	vand.u32 $0x7F, v20;
	v21 =	vand.u32 $0xFFFFFC00, v21  }
0xc4: {  	v20 =	vor.u32 v20, v21  }
0xc5: {  	v20 =	vadd.s32 v17, v20;
	_ =	sdelay $0x4  }
0xc6: {  	[tilespmem:v20+s2+$0x0] =	vst.idx.msk $0xffff, v18  }
0xc7: {  	v20 =	vld [tilespmem:$0x10];
	_ =	sdelay $0x4  }
0xc8: {  	v33 =	vshll.u32 v20, $0x3  }
0xc9: {  	v20 =	vand.u32 $0x7F, v20;
	v21 =	vand.u32 $0xFFFFFC00, v33  }
0xca: {  	v20 =	vor.u32 v20, v21  }
0xcb: {  	v20 =	vadd.s32 v19, v20;
	_ =	sdelay $0x4  }
0xcc: {  	[tilespmem:v20+s2+$0x0] =	vst.idx.msk $0xffff, v18  }
0xcd: {  	[hbm4b:s4+s1] =	stream.linear.scatter [tilespmem:s2], [sflag:$0x5], $0x8000, $0x38;
	[tilespmem:$0x18100] =	vst v63  }
0xce: {  	_ =	swait.ge [sflag:s30], $0x8000  }
0xcf: {  	[sflag:s30] =	ssyncset.done $0x0  }
0xd0: {  	[sflag:s30] =	ssyncadd.s32 $0xFFFF8000  }
0xd1: {  	v20 =	vld [tilespmem:$0x0];
	_ =	sdelay $0x4  }
0xd2: {  	v34 =	vshll.u32 v20, $0x3  }
0xd3: {  	v20 =	vand.u32 $0x7F, v20;
	v21 =	vand.u32 $0xFFFFFC00, v34  }
0xd4: {  	v20 =	vor.u32 v20, v21  }
0xd5: {  	v20 =	vadd.s32 v17, v20;
	_ =	sdelay $0x4  }
0xd6: {  	[tilespmem:v20+s2+$0x0] =	vst.idx.msk $0xffff, v0  }
0xd7: {  	v20 =	vld [tilespmem:$0x10];
	_ =	sdelay $0x4  }
0xd8: {  	v35 =	vshll.u32 v20, $0x3  }
0xd9: {  	v20 =	vand.u32 $0x7F, v20;
	v21 =	vand.u32 $0xFFFFFC00, v35  }
0xda: {  	v20 =	vor.u32 v20, v21  }
0xdb: {  	v20 =	vadd.s32 v19, v20;
	_ =	sdelay $0x4  }
0xdc: {  	[tilespmem:v20+s2+$0x0] =	vst.idx.msk $0xffff, v0  }
0xdd: {  	v20 =	vld [tilespmem:$0x20];
	_ =	sdelay $0x4  }
0xde: {  	v36 =	vshll.u32 v20, $0x3  }
0xdf: {  	v20 =	vand.u32 $0x7F, v20;
	v21 =	vand.u32 $0xFFFFFC00, v36  }
0xe0: {  	v20 =	vor.u32 v20, v21  }
0xe1: {  	v20 =	vadd.s32 v17, v20;
	_ =	sdelay $0x4  }
0xe2: {  	[tilespmem:v20+s2+$0x0] =	vst.idx.msk $0xffff, v18  }
0xe3: {  	v20 =	vld [tilespmem:$0x30];
	_ =	sdelay $0x4  }
0xe4: {  	v37 =	vshll.u32 v20, $0x3  }
0xe5: {  	v20 =	vand.u32 $0x7F, v20;
	v21 =	vand.u32 $0xFFFFFC00, v37  }
0xe6: {  	v20 =	vor.u32 v20, v21  }
0xe7: {  	v20 =	vadd.s32 v19, v20;
	_ =	sdelay $0x4  }
0xe8: {  	s9 =	rddreg [dreg:$0x6];
	[tilespmem:v20+s2+$0x0] =	vst.idx.msk $0xffff, v18  }
0xe9: {  	[hbm4b:s9+s1] =	stream.linear.scatter [tilespmem:s2], [sflag:$0x5], $0x8000, $0x38;
	[tilespmem:$0x18100] =	vst v63  }
0xea: {  	_ =	swait.ge [sflag:s30], $0x8000  }
0xeb: {  	[sflag:s30] =	ssyncset.done $0x0  }
0xec: {  	[sflag:s30] =	ssyncadd.s32 $0xFFFF8000  }
0xed: {  	v20 =	vld [tilespmem:$0x20];
	_ =	sdelay $0x4  }
0xee: {  	v38 =	vshll.u32 v20, $0x3  }
0xef: {  	v20 =	vand.u32 $0x7F, v20;
	v21 =	vand.u32 $0xFFFFFC00, v38  }
0xf0: {  	v20 =	vor.u32 v20, v21  }
0xf1: {  	v20 =	vadd.s32 v17, v20;
	_ =	sdelay $0x4  }
0xf2: {  	[tilespmem:v20+s2+$0x0] =	vst.idx.msk $0xffff, v0  }
0xf3: {  	v20 =	vld [tilespmem:$0x30];
	_ =	sdelay $0x4  }
0xf4: {  	v39 =	vshll.u32 v20, $0x3  }
0xf5: {  	v20 =	vand.u32 $0x7F, v20;
	v21 =	vand.u32 $0xFFFFFC00, v39  }
0xf6: {  	v20 =	vor.u32 v20, v21  }
0xf7: {  	v20 =	vadd.s32 v19, v20;
	_ =	sdelay $0x4  }
0xf8: {  	[tilespmem:v20+s2+$0x0] =	vst.idx.msk $0xffff, v0  }
0xf9: {  	v20 =	vld [tilespmem:$0x40];
	_ =	sdelay $0x4  }
0xfa: {  	v40 =	vshll.u32 v20, $0x3  }
0xfb: {  	v20 =	vand.u32 $0x7F, v20;
	v21 =	vand.u32 $0xFFFFFC00, v40  }
0xfc: {  	v20 =	vor.u32 v20, v21  }
0xfd: {  	v20 =	vadd.s32 v17, v20;
	_ =	sdelay $0x4  }
0xfe: {  	[tilespmem:v20+s2+$0x0] =	vst.idx.msk $0xffff, v18  }
0xff: {  	v20 =	vld [tilespmem:$0x50];
	_ =	sdelay $0x4  }
0x100: {  	v41 =	vshll.u32 v20, $0x3  }
0x101: {  	v20 =	vand.u32 $0x7F, v20;
	v21 =	vand.u32 $0xFFFFFC00, v41  }
0x102: {  	v20 =	vor.u32 v20, v21  }
0x103: {  	v20 =	vadd.s32 v19, v20;
	_ =	sdelay $0x4  }
0x104: {  	s13 =	rddreg [dreg:$0x7];
	[tilespmem:v20+s2+$0x0] =	vst.idx.msk $0xffff, v18  }
0x105: {  	[hbm4b:s13+s1] =	stream.linear.scatter [tilespmem:s2], [sflag:$0x5], $0x8000, $0x38;
	[tilespmem:$0x18100] =	vst v63  }
0x106: {  	_ =	swait.ge [sflag:s30], $0x8000  }
0x107: {  	[sflag:s30] =	ssyncset.done $0x0  }
0x108: {  	[sflag:s30] =	ssyncadd.s32 $0xFFFF8000  }
0x109: {  	v20 =	vld [tilespmem:$0x40];
	_ =	sdelay $0x4  }
0x10a: {  	v42 =	vshll.u32 v20, $0x3  }
0x10b: {  	v20 =	vand.u32 $0x7F, v20;
	v21 =	vand.u32 $0xFFFFFC00, v42  }
0x10c: {  	v20 =	vor.u32 v20, v21  }
0x10d: {  	v20 =	vadd.s32 v17, v20;
	_ =	sdelay $0x4  }
0x10e: {  	[tilespmem:v20+s2+$0x0] =	vst.idx.msk $0xffff, v0  }
0x10f: {  	v20 =	vld [tilespmem:$0x50];
	_ =	sdelay $0x4  }
0x110: {  	v43 =	vshll.u32 v20, $0x3  }
0x111: {  	v20 =	vand.u32 $0x7F, v20;
	v21 =	vand.u32 $0xFFFFFC00, v43  }
0x112: {  	v20 =	vor.u32 v20, v21  }
0x113: {  	v20 =	vadd.s32 v19, v20;
	_ =	sdelay $0x4  }
0x114: {  	[tilespmem:v20+s2+$0x0] =	vst.idx.msk $0xffff, v0  }
0x115: {  	v20 =	vld [tilespmem:$0x60];
	_ =	sdelay $0x4  }
0x116: {  	v44 =	vshll.u32 v20, $0x3  }
0x117: {  	v20 =	vand.u32 $0x7F, v20;
	v21 =	vand.u32 $0xFFFFFC00, v44  }
0x118: {  	v20 =	vor.u32 v20, v21  }
0x119: {  	v20 =	vadd.s32 v17, v20;
	_ =	sdelay $0x4  }
0x11a: {  	[tilespmem:v20+s2+$0x0] =	vst.idx.msk $0xffff, v18  }
0x11b: {  	v20 =	vld [tilespmem:$0x70];
	_ =	sdelay $0x4  }
0x11c: {  	v45 =	vshll.u32 v20, $0x3  }
0x11d: {  	v20 =	vand.u32 $0x7F, v20;
	v21 =	vand.u32 $0xFFFFFC00, v45  }
0x11e: {  	v20 =	vor.u32 v20, v21  }
0x11f: {  	v20 =	vadd.s32 v19, v20;
	_ =	sdelay $0x4  }
0x120: {  	s14 =	rddreg [dreg:$0x8];
	[tilespmem:v20+s2+$0x0] =	vst.idx.msk $0xffff, v18  }
0x121: {  	[hbm4b:s14+s1] =	stream.linear.scatter [tilespmem:s2], [sflag:$0x5], $0x8000, $0x38;
	[tilespmem:$0x18100] =	vst v63  }
0x122: {  	_ =	swait.ge [sflag:s30], $0x8000  }
0x123: {  	[sflag:s30] =	ssyncset.done $0x0  }
0x124: {  	[sflag:s30] =	ssyncadd.s32 $0xFFFF8000  }
0x125: {  	v20 =	vld [tilespmem:$0x60];
	_ =	sdelay $0x4  }
0x126: {  	v46 =	vshll.u32 v20, $0x3  }
0x127: {  	v20 =	vand.u32 $0x7F, v20;
	v21 =	vand.u32 $0xFFFFFC00, v46  }
0x128: {  	v20 =	vor.u32 v20, v21  }
0x129: {  	v20 =	vadd.s32 v17, v20;
	_ =	sdelay $0x4  }
0x12a: {  	[tilespmem:v20+s2+$0x0] =	vst.idx.msk $0xffff, v0  }
0x12b: {  	v20 =	vld [tilespmem:$0x70];
	_ =	sdelay $0x4  }
0x12c: {  	v47 =	vshll.u32 v20, $0x3  }
0x12d: {  	v20 =	vand.u32 $0x7F, v20;
	v21 =	vand.u32 $0xFFFFFC00, v47  }
0x12e: {  	v20 =	vor.u32 v20, v21  }
0x12f: {  	v20 =	vadd.s32 v19, v20;
	_ =	sdelay $0x4  }
0x130: {  	[tilespmem:v20+s2+$0x0] =	vst.idx.msk $0xffff, v0  }
0x131: {  	v20 =	vld [tilespmem:$0x80];
	_ =	sdelay $0x4  }
0x132: {  	v48 =	vshll.u32 v20, $0x3  }
0x133: {  	v20 =	vand.u32 $0x7F, v20;
	v21 =	vand.u32 $0xFFFFFC00, v48  }
0x134: {  	v20 =	vor.u32 v20, v21  }
0x135: {  	v20 =	vadd.s32 v17, v20;
	_ =	sdelay $0x4  }
0x136: {  	[tilespmem:v20+s2+$0x0] =	vst.idx.msk $0xffff, v18  }
0x137: {  	v20 =	vld [tilespmem:$0x90];
	_ =	sdelay $0x4  }
0x138: {  	v49 =	vshll.u32 v20, $0x3  }
0x139: {  	v20 =	vand.u32 $0x7F, v20;
	v21 =	vand.u32 $0xFFFFFC00, v49  }
0x13a: {  	v20 =	vor.u32 v20, v21  }
0x13b: {  	v20 =	vadd.s32 v19, v20;
	_ =	sdelay $0x4  }
0x13c: {  	[tilespmem:v20+s2+$0x0] =	vst.idx.msk $0xffff, v18  }
0x13d: {  	[hbm4b:s24+s1] =	stream.linear.scatter [tilespmem:s2], [sflag:$0x5], $0x8000, $0x38;
	[tilespmem:$0x18100] =	vst v63  }
0x13e: {  	_ =	swait.ge [sflag:s30], $0x8000  }
0x13f: {  	[sflag:s30] =	ssyncset.done $0x0  }
0x140: {  	[sflag:s30] =	ssyncadd.s32 $0xFFFF8000  }
0x141: {  	v20 =	vld [tilespmem:$0x80];
	_ =	sdelay $0x4  }
0x142: {  	v50 =	vshll.u32 v20, $0x3  }
0x143: {  	v20 =	vand.u32 $0x7F, v20;
	v21 =	vand.u32 $0xFFFFFC00, v50  }
0x144: {  	v20 =	vor.u32 v20, v21  }
0x145: {  	v20 =	vadd.s32 v17, v20;
	_ =	sdelay $0x4  }
0x146: {  	[tilespmem:v20+s2+$0x0] =	vst.idx.msk $0xffff, v0  }
0x147: {  	v20 =	vld [tilespmem:$0x90];
	_ =	sdelay $0x4  }
0x148: {  	v51 =	vshll.u32 v20, $0x3  }
0x149: {  	v20 =	vand.u32 $0x7F, v20;
	v21 =	vand.u32 $0xFFFFFC00, v51  }
0x14a: {  	v20 =	vor.u32 v20, v21  }
0x14b: {  	v20 =	vadd.s32 v19, v20;
	_ =	sdelay $0x4  }
0x14c: {  	[tilespmem:v20+s2+$0x0] =	vst.idx.msk $0xffff, v0  }
0x14d: {  	v20 =	vld [tilespmem:$0xA0];
	_ =	sdelay $0x4  }
0x14e: {  	v52 =	vshll.u32 v20, $0x3  }
0x14f: {  	v20 =	vand.u32 $0x7F, v20;
	v21 =	vand.u32 $0xFFFFFC00, v52  }
0x150: {  	v20 =	vor.u32 v20, v21  }
0x151: {  	v20 =	vadd.s32 v17, v20;
	_ =	sdelay $0x4  }
0x152: {  	[tilespmem:v20+s2+$0x0] =	vst.idx.msk $0xffff, v18  }
0x153: {  	v20 =	vld [tilespmem:$0xB0];
	_ =	sdelay $0x4  }
0x154: {  	v53 =	vshll.u32 v20, $0x3  }
0x155: {  	v20 =	vand.u32 $0x7F, v20;
	v21 =	vand.u32 $0xFFFFFC00, v53  }
0x156: {  	v20 =	vor.u32 v20, v21  }
0x157: {  	v20 =	vadd.s32 v19, v20;
	_ =	sdelay $0x4  }
0x158: {  	[tilespmem:v20+s2+$0x0] =	vst.idx.msk $0xffff, v18  }
0x159: {  	[hbm4b:s26+s1] =	stream.linear.scatter [tilespmem:s2], [sflag:$0x5], $0x8000, $0x38;
	[tilespmem:$0x18100] =	vst v63  }
0x15a: {  	_ =	swait.ge [sflag:s30], $0x8000  }
0x15b: {  	[sflag:s30] =	ssyncset.done $0x0  }
0x15c: {  	[sflag:s30] =	ssyncadd.s32 $0xFFFF8000  }
0x15d: {  	v20 =	vld [tilespmem:$0xA0];
	_ =	sdelay $0x4  }
0x15e: {  	v54 =	vshll.u32 v20, $0x3  }
0x15f: {  	v20 =	vand.u32 $0x7F, v20;
	v21 =	vand.u32 $0xFFFFFC00, v54  }
0x160: {  	v20 =	vor.u32 v20, v21  }
0x161: {  	v20 =	vadd.s32 v17, v20;
	_ =	sdelay $0x4  }
0x162: {  	[tilespmem:v20+s2+$0x0] =	vst.idx.msk $0xffff, v0  }
0x163: {  	v20 =	vld [tilespmem:$0xB0];
	_ =	sdelay $0x4  }
0x164: {  	v55 =	vshll.u32 v20, $0x3  }
0x165: {  	v20 =	vand.u32 $0x7F, v20;
	v21 =	vand.u32 $0xFFFFFC00, v55  }
0x166: {  	v20 =	vor.u32 v20, v21  }
0x167: {  	v20 =	vadd.s32 v19, v20;
	_ =	sdelay $0x4  }
0x168: {  	[tilespmem:v20+s2+$0x0] =	vst.idx.msk $0xffff, v0  }
0x169: {  	v20 =	vld [tilespmem:$0xC0];
	_ =	sdelay $0x4  }
0x16a: {  	v56 =	vshll.u32 v20, $0x3  }
0x16b: {  	v20 =	vand.u32 $0x7F, v20;
	v21 =	vand.u32 $0xFFFFFC00, v56  }
0x16c: {  	v20 =	vor.u32 v20, v21  }
0x16d: {  	v20 =	vadd.s32 v17, v20;
	_ =	sdelay $0x4  }
0x16e: {  	[tilespmem:v20+s2+$0x0] =	vst.idx.msk $0xffff, v18  }
0x16f: {  	v20 =	vld [tilespmem:$0xD0];
	_ =	sdelay $0x4  }
0x170: {  	v57 =	vshll.u32 v20, $0x3  }
0x171: {  	v20 =	vand.u32 $0x7F, v20;
	v21 =	vand.u32 $0xFFFFFC00, v57  }
0x172: {  	v20 =	vor.u32 v20, v21  }
0x173: {  	v20 =	vadd.s32 v19, v20;
	_ =	sdelay $0x4  }
0x174: {  	[tilespmem:v20+s2+$0x0] =	vst.idx.msk $0xffff, v18  }
0x175: {  	[hbm4b:s28+s1] =	stream.linear.scatter [tilespmem:s2], [sflag:$0x5], $0x8000, $0x38;
	[tilespmem:$0x18100] =	vst v63  }
0x176: {  	_ =	swait.ge [sflag:s30], $0x8000  }
0x177: {  	[sflag:s30] =	ssyncset.done $0x0  }
0x178: {  	[sflag:s30] =	ssyncadd.s32 $0xFFFF8000  }
0x179: {  	v20 =	vld [tilespmem:$0xC0];
	_ =	sdelay $0x4  }
0x17a: {  	v58 =	vshll.u32 v20, $0x3  }
0x17b: {  	v20 =	vand.u32 $0x7F, v20;
	v21 =	vand.u32 $0xFFFFFC00, v58  }
0x17c: {  	v20 =	vor.u32 v20, v21  }
0x17d: {  	v20 =	vadd.s32 v17, v20;
	_ =	sdelay $0x4  }
0x17e: {  	[tilespmem:v20+s2+$0x0] =	vst.idx.msk $0xffff, v0  }
0x17f: {  	v20 =	vld [tilespmem:$0xD0];
	_ =	sdelay $0x4  }
0x180: {  	v59 =	vshll.u32 v20, $0x3  }
0x181: {  	v20 =	vand.u32 $0x7F, v20;
	v21 =	vand.u32 $0xFFFFFC00, v59  }
0x182: {  	v20 =	vor.u32 v20, v21  }
0x183: {  	v20 =	vadd.s32 v19, v20;
	_ =	sdelay $0x4  }
0x184: {  	[tilespmem:v20+s2+$0x0] =	vst.idx.msk $0xffff, v0  }
0x185: {  	v20 =	vld [tilespmem:$0xE0];
	_ =	sdelay $0x4  }
0x186: {  	v60 =	vshll.u32 v20, $0x3  }
0x187: {  	v20 =	vand.u32 $0x7F, v20;
	v21 =	vand.u32 $0xFFFFFC00, v60  }
0x188: {  	v20 =	vor.u32 v20, v21  }
0x189: {  	v20 =	vadd.s32 v17, v20;
	_ =	sdelay $0x4  }
0x18a: {  	[tilespmem:v20+s2+$0x0] =	vst.idx.msk $0xffff, v18  }
0x18b: {  	v20 =	vld [tilespmem:$0xF0];
	_ =	sdelay $0x4  }
0x18c: {  	v61 =	vshll.u32 v20, $0x3  }
0x18d: {  	v20 =	vand.u32 $0x7F, v20;
	v21 =	vand.u32 $0xFFFFFC00, v61  }
0x18e: {  	v20 =	vor.u32 v20, v21  }
0x18f: {  	v20 =	vadd.s32 v19, v20;
	_ =	sdelay $0x4  }
0x190: {  	[tilespmem:v20+s2+$0x0] =	vst.idx.msk $0xffff, v18  }
0x191: {  	[hbm4b:s29+s1] =	stream.linear.scatter [tilespmem:s2], [sflag:$0x5], $0x8000, $0x38;
	[tilespmem:$0x18100] =	vst v63  }
0x192: {  	_ =	swait.ge [sflag:s30], $0x8000  }
0x193: {  	[sflag:s30] =	ssyncset.done $0x0  }
0x194: {  	[sflag:s30] =	ssyncadd.s32 $0xFFFF8000  }
0x195: {  	v20 =	vld [tilespmem:$0xE0];
	_ =	sdelay $0x4  }
0x196: {  	v62 =	vshll.u32 v20, $0x3  }
0x197: {  	v20 =	vand.u32 $0x7F, v20;
	v21 =	vand.u32 $0xFFFFFC00, v62  }
0x198: {  	v20 =	vor.u32 v20, v21  }
0x199: {  	v20 =	vadd.s32 v17, v20;
	_ =	sdelay $0x4  }
0x19a: {  	[tilespmem:v20+s2+$0x0] =	vst.idx.msk $0xffff, v0  }
0x19b: {  	v20 =	vld [tilespmem:$0xF0];
	_ =	sdelay $0x4  }
0x19c: {  	v63 =	vshll.u32 v20, $0x3  }
0x19d: {  	v20 =	vand.u32 $0x7F, v20;
	v21 =	vand.u32 $0xFFFFFC00, v63  }
0x19e: {  	v20 =	vor.u32 v20, v21  }
0x19f: {  	v20 =	vadd.s32 v19, v20;
	_ =	sdelay $0x4  }
0x1a0: {  	[tilespmem:v20+s2+$0x0] =	vst.idx.msk $0xffff, v0  }
0x1a1: {  	_ =	swait.ge [sflag:s3], $0x8000  }
0x1a2: {  	[sflag:s3] =	ssyncset.done $0x0  }
0x1a3: {  	s10 =	rddreg [dreg:$0x9];
	[sflag:s3] =	ssyncadd.s32 $0xFFFF8000  }
0x1a4: {  	[hbm4b:s10+s1] =	stream.linear.scatter [tilespmem:s31], [sflag:$0x3], $0x8000, $0x38;
	[tilespmem:$0x18100] =	vst v63  }
0x1a5: {  	_ =	swait.ge [sflag:s5], $0x8000  }
0x1a6: {  	[sflag:s5] =	ssyncset.done $0x0  }
0x1a7: {  	s11 =	rddreg [dreg:$0xa];
	[sflag:s5] =	ssyncadd.s32 $0xFFFF8000  }
0x1a8: {  	[tilespmem:s31], [sflag:$0x1] =	stream.linear.gather [hbm4b:s11+s1], $0x8000, $0x38;
	[tilespmem:$0x18100] =	vst v63  }
0x1a9: {  	_ =	swait.ge [sflag:s6], $0x8000  }
0x1aa: {  	[sflag:s6] =	ssyncset.done $0x0  }
0x1ab: {  	s12 =	rddreg [dreg:$0xb];
	[sflag:s6] =	ssyncadd.s32 $0xFFFF8000  }
0x1ac: {  	[hbm4b:s12+s1] =	stream.linear.scatter [tilespmem:s0], [sflag:$0x4], $0x8000, $0x38;
	[tilespmem:$0x18100] =	vst v63  }
0x1ad: {  	_ =	swait.ge [sflag:s7], $0x8000  }
0x1ae: {  	[sflag:s7] =	ssyncset.done $0x0  }
0x1af: {  	s13 =	rddreg [dreg:$0xc];
	[sflag:s7] =	ssyncadd.s32 $0xFFFF8000  }
0x1b0: {  	[tilespmem:s0], [sflag:$0x2] =	stream.linear.gather [hbm4b:s13+s1], $0x8000, $0x38;
	[tilespmem:$0x18100] =	vst v63  }
0x1b1: {  	_ =	swait.ge [sflag:s3], $0x8000  }
0x1b2: {  	[sflag:s3] =	ssyncset.done $0x0  }
0x1b3: {  	s14 =	rddreg [dreg:$0xd];
	[sflag:s3] =	ssyncadd.s32 $0xFFFF8000  }
0x1b4: {  	[hbm4b:s14+s1] =	stream.linear.scatter [tilespmem:s31], [sflag:$0x3], $0x8000, $0x38;
	[tilespmem:$0x18100] =	vst v63  }
0x1b5: {  	_ =	swait.ge [sflag:s5], $0x8000  }
0x1b6: {  	[sflag:s5] =	ssyncset.done $0x0  }
0x1b7: {  	[sflag:s5] =	ssyncadd.s32 $0xFFFF8000  }
0x1b8: {  	[tilespmem:s31], [sflag:$0x1] =	stream.linear.gather [hbm4b:s15+s1], $0x8000, $0x38;
	[tilespmem:$0x18100] =	vst v63  }
0x1b9: {  	_ =	swait.ge [sflag:s6], $0x8000  }
0x1ba: {  	[sflag:s6] =	ssyncset.done $0x0  }
0x1bb: {  	[sflag:s6] =	ssyncadd.s32 $0xFFFF8000  }
0x1bc: {  	[hbm4b:s16+s1] =	stream.linear.scatter [tilespmem:s0], [sflag:$0x4], $0x8000, $0x38;
	[tilespmem:$0x18100] =	vst v63  }
0x1bd: {  	_ =	swait.ge [sflag:s7], $0x8000  }
0x1be: {  	[sflag:s7] =	ssyncset.done $0x0  }
0x1bf: {  	[sflag:s7] =	ssyncadd.s32 $0xFFFF8000  }
0x1c0: {  	[tilespmem:s0], [sflag:$0x2] =	stream.linear.gather [hbm4b:s17+s1], $0x8000, $0x38;
	[tilespmem:$0x18100] =	vst v63  }
0x1c1: {  	_ =	swait.ge [sflag:s3], $0x8000  }
0x1c2: {  	[sflag:s3] =	ssyncset.done $0x0  }
0x1c3: {  	[sflag:s3] =	ssyncadd.s32 $0xFFFF8000  }
0x1c4: {  	[hbm4b:s18+s1] =	stream.linear.scatter [tilespmem:s31], [sflag:$0x3], $0x8000, $0x38;
	[tilespmem:$0x18100] =	vst v63  }
0x1c5: {  	_ =	swait.ge [sflag:s5], $0x8000  }
0x1c6: {  	[sflag:s5] =	ssyncset.done $0x0  }
0x1c7: {  	[sflag:s5] =	ssyncadd.s32 $0xFFFF8000  }
0x1c8: {  	[tilespmem:s31], [sflag:$0x1] =	stream.linear.gather [hbm4b:s19+s1], $0x8000, $0x38;
	[tilespmem:$0x18100] =	vst v63  }
0x1c9: {  	_ =	swait.ge [sflag:s6], $0x8000  }
0x1ca: {  	[sflag:s6] =	ssyncset.done $0x0  }
0x1cb: {  	[sflag:s6] =	ssyncadd.s32 $0xFFFF8000  }
0x1cc: {  	[hbm4b:s20+s1] =	stream.linear.scatter [tilespmem:s0], [sflag:$0x4], $0x8000, $0x38;
	[tilespmem:$0x18100] =	vst v63  }
0x1cd: {  	_ =	swait.ge [sflag:s7], $0x8000  }
0x1ce: {  	[sflag:s7] =	ssyncset.done $0x0  }
0x1cf: {  	[sflag:s7] =	ssyncadd.s32 $0xFFFF8000  }
0x1d0: {  	[tilespmem:s0], [sflag:$0x2] =	stream.linear.gather [hbm4b:s21+s1], $0x8000, $0x38;
	[tilespmem:$0x18100] =	vst v63  }
0x1d1: {  	_ =	swait.ge [sflag:s3], $0x8000  }
0x1d2: {  	[sflag:s3] =	ssyncset.done $0x0  }
0x1d3: {  	[sflag:s3] =	ssyncadd.s32 $0xFFFF8000  }
0x1d4: {  	[hbm4b:s22+s1] =	stream.linear.scatter [tilespmem:s31], [sflag:$0x3], $0x8000, $0x38;
	[tilespmem:$0x18100] =	vst v63  }
0x1d5: {  	_ =	swait.ge [sflag:s6], $0x8000  }
0x1d6: {  	[sflag:s6] =	ssyncset.done $0x0  }
0x1d7: {  	s8 =	sadd.s32 $0x1, s8;
	[sflag:s6] =	ssyncadd.s32 $0xFFFF8000  }
0x1d8: {  	[hbm4b:s23+s1] =	stream.linear.scatter [tilespmem:s0], [sflag:$0x4], $0x8000, $0x38;
	[tilespmem:$0x18100] =	vst v63  }
0x1d9: {  	p0 =	sne.s32 s8, s25;
	_ =	swait.ge [sflag:s5], $0x8000  }
.Ltmp1:
0x1da: {  	[sflag:s5] =	ssyncset.done $0x0;
	(pc) =	sbr.rel @p0 .LBB2_1-.Ltmp1, $4  }
0x1db: {  	[sflag:s5] =	ssyncadd.s32 $0xFFFF8000  }
0x1dc: {  	_ =	swait.ge [sflag:s7], $0x8000  }
0x1dd: {  	[sflag:s7] =	ssyncset.done $0x0  }
0x1de: {  	[sflag:s7] =	ssyncadd.s32 $0xFFFF8000  }
0x1df: {  	_ =	sfence.sel $0x180000  }
0x1e0: {  	[bflag:$0x0] =	sbarrier.arrive $0xFFFF  }
0x1e1: {  	_ =	strace $0x90000047  }
0x1e2: {  	s0 =	stileid.u32;
	[bflag:$0x2] =	sbarrier.arrive $0xFFFF  }
0x1e3: {  	p0 =	sne.s32 s0, $0x0;
	s0 =	rddreg [dreg:$0x2]  }
0x1e4: {  	s0 =	sadd.s32 @!p0 $0x100000, s0  }
0x1e5: {  	[sflag:s0] =	ssyncadd.tile.s32 @!p0 $0x1;
	_ =	shalt  }
.Lfunc_end2:
_tile_overlayer_lowered:
.L_overlay_start_2:
0x1e6: {  	(tag) =	ssettag $0x2  }
0x1e7: {  	s0 =	rddreg [dreg:$0x0];
	s2 =	stileid.u32  }
0x1e8: {  	s1 =	rddreg [dreg:$0x1];
	p0 =	sne.s32 s2, $0x0  }
0x1e9: {  	s3 =	rddreg [dreg:$0x2];
	[bflag:$0x3] =	sbarrier.arrive $0xFFFF;
	s2 =	simm.s32 @!p0 $0x1C05  }
0x1ea: {  	[timem:s3], [sflag:s2] =	dma.local @!p0 [hbm:s0], s1  }
0x1eb: {  	s0 =	simm.s32 @!p0 $0x5  }
0x1ec: {  	_ =	swait.ge @!p0 [sflag:s0], s1  }
0x1ed: {  	s1 =	ssub.s32 @!p0 $0x0, s1;
	[sflag:s0] =	ssyncset.done @!p0 $0x0  }
0x1ee: {  	[sflag:s0] =	ssyncadd.s32 @!p0 s1  }
0x1ef: {  	[bflag:$0x3] =	sbarrier.arrive $0xFFFF  }
0x1f0: {  	_ =	shalt  }

</sc_bundles>
